<compile_context>
chip_gen: v7x
topology: tpu7x:2x2x1
jax: 0.10.2.dev20260603
libtpu: 0.0.44.dev20260713+nightly
codegen_flags: <defaults>
</compile_context>

<pallas_src>
from math import sqrt

import jax
import jax.numpy as jnp
from jax import lax
from jax.experimental import pallas as pl
from jax.experimental.pallas import tpu as pltpu

_CLUSTERS = 128
_ITERATIONS = 10
_BITS = 32


def _ca_kernel(w_ref, bias_ref, init_ref, q_ref, k_ref, v_ref, out_ref):
    q = q_ref[0]
    k = k_ref[0]
    v = v_ref[0]
    L, E = q.shape
    C = _CLUSTERS
    f32 = jnp.float32

    proj = lax.dot_general(q, w_ref[...], (((1,), (0,)), ((), ())),
                           preferred_element_type=f32) + bias_ref[...]
    B = (proj > 0).astype(f32)

    iota_cl = lax.broadcasted_iota(jnp.int32, (C, L), 0)
    iota_pos = lax.broadcasted_iota(jnp.int32, (C, L), 1)

    sel = (iota_pos == init_ref[...]).astype(f32)
    c_bits0 = lax.dot_general(sel, B, (((1,), (0,)), ((), ())),
                              preferred_element_type=f32)

    def assign_onehot(c_bits):
        pc_c = jnp.sum(c_bits, axis=1, keepdims=True)
        scores = lax.dot_general(c_bits, B, (((1,), (1,)), ((), ())),
                                 preferred_element_type=f32)
        dist = pc_c - 2.0 * scores
        m = jnp.min(dist, axis=0, keepdims=True)
        cand = jnp.where(dist == m, iota_cl, C)
        assign = jnp.min(cand, axis=0, keepdims=True)
        onehot = (iota_cl == assign).astype(f32)
        return onehot

    def body(_, c_bits):
        onehot = assign_onehot(c_bits)
        counts = jnp.sum(onehot, axis=1, keepdims=True)
        bit_sums = lax.dot_general(onehot, B, (((1,), (0,)), ((), ())),
                                   preferred_element_type=f32)
        maj = (bit_sums * 2.0 > counts).astype(f32)
        return jnp.where(counts > 0, maj, c_bits)

    c_bits = lax.fori_loop(0, _ITERATIONS, body, c_bits0)

    onehot = assign_onehot(c_bits)
    counts = jnp.maximum(jnp.sum(onehot, axis=1, keepdims=True), 1.0)

    q_sum = lax.dot_general(onehot, q, (((1,), (0,)), ((), ())),
                            preferred_element_type=f32)
    qg = q_sum / counts
    qk = lax.dot_general(qg, k, (((1,), (1,)), ((), ())),
                         preferred_element_type=f32)
    qk = qk * (1.0 / sqrt(E))
    qk = qk - jnp.max(qk, axis=1, keepdims=True)
    e = jnp.exp(qk)
    a = e / jnp.sum(e, axis=1, keepdims=True)
    vc = lax.dot_general(a, v, (((1,), (0,)), ((), ())),
                         preferred_element_type=f32)

    out_ref[0] = lax.dot_general(onehot, vc, (((0,), (0,)), ((), ())),
                                 preferred_element_type=f32)


def kernel(queries, keys, values):
    N, L, H, E = queries.shape
    D = values.shape[-1]
    NH = N * H

    qt = jnp.transpose(queries, (0, 2, 1, 3)).reshape(NH, L, E)
    kt = jnp.transpose(keys, (0, 2, 1, 3)).reshape(NH, L, E)
    vt = jnp.transpose(values, (0, 2, 1, 3)).reshape(NH, L, D)

    planes = jax.random.normal(jax.random.key(42), (_BITS, E + 1),
                               dtype=jnp.float32)
    w = planes[:, :-1].T
    bias = planes[:, -1][None, :]
    init_idx = jnp.linspace(0, L - 1, _CLUSTERS).astype(jnp.int32)[:, None]

    out = pl.pallas_call(
        _ca_kernel,
        grid=(NH,),
        in_specs=[
            pl.BlockSpec((E, _BITS), lambda i: (0, 0)),
            pl.BlockSpec((1, _BITS), lambda i: (0, 0)),
            pl.BlockSpec((_CLUSTERS, 1), lambda i: (0, 0)),
            pl.BlockSpec((1, L, E), lambda i: (i, 0, 0)),
            pl.BlockSpec((1, L, E), lambda i: (i, 0, 0)),
            pl.BlockSpec((1, L, D), lambda i: (i, 0, 0)),
        ],
        out_specs=pl.BlockSpec((1, L, D), lambda i: (i, 0, 0)),
        out_shape=jax.ShapeDtypeStruct((NH, L, D), jnp.float32),
        compiler_params=pltpu.CompilerParams(
            dimension_semantics=("arbitrary",),
        ),
    )(w, bias, init_idx, qt, kt, vt)

    return jnp.transpose(out.reshape(N, H, L, D), (0, 2, 1, 3))

# --- scband reference (transcript-rebuilt; emitter-appended) ---
"""Pipeline reference for scband-clustered-attention-32719060861245 (READ-ONLY COPY).

The authoritative reference and input builder live on the scoring server;
editing this copy changes nothing except your own understanding.
"""

import jax, jax.numpy as jnp
import numpy as np
from math import sqrt

CLUSTERS = 128
ITERATIONS = 10
BITS = 32


def popcount32(x):
    x = x.astype(jnp.uint32)
    x = x - ((x >> jnp.uint32(1)) & jnp.uint32(0x55555555))
    x = (x & jnp.uint32(0x33333333)) + ((x >> jnp.uint32(2)) & jnp.uint32(0x33333333))
    x = (x + (x >> jnp.uint32(4))) & jnp.uint32(0x0F0F0F0F)
    return ((x * jnp.uint32(0x01010101)) >> jnp.uint32(24)).astype(jnp.int32)


def compute_hashes(X, planes):
    # X: [M, E], planes: [BITS, E+1] (last column is bias -> hamming ~ L2)
    proj = X @ planes[:, :-1].T + planes[:, -1]
    b = (proj > 0).astype(jnp.uint32)
    shifts = jnp.arange(BITS, dtype=jnp.uint32)
    return jnp.sum(b << shifts, axis=-1, dtype=jnp.uint32)


def lloyd_cluster(hashes):
    # hashes: [NH, L] uint32. Lloyd k-means in Hamming space.
    NH, L = hashes.shape
    shifts = jnp.arange(BITS, dtype=jnp.uint32)
    B = ((hashes[..., None] >> shifts) & jnp.uint32(1)).astype(jnp.float32)  # [NH, L, BITS]
    init_idx = jnp.linspace(0, L - 1, CLUSTERS).astype(jnp.int32)
    c_hash = hashes[:, init_idx]  # [NH, C]
    for _ in range(ITERATIONS):
        dist = popcount32(hashes[:, :, None] ^ c_hash[:, None, :])  # [NH, L, C]
        assign = jnp.argmin(dist, axis=-1)
        onehot = jax.nn.one_hot(assign, CLUSTERS, dtype=jnp.float32)  # [NH, L, C]
        counts = jnp.sum(onehot, axis=1)  # [NH, C]
        bit_sums = jnp.einsum('nlc,nlb->ncb', onehot, B)  # [NH, C, BITS]
        maj = (bit_sums * 2.0 > counts[..., None]).astype(jnp.uint32)
        new_hash = jnp.sum(maj << shifts, axis=-1, dtype=jnp.uint32)
        c_hash = jnp.where(counts > 0, new_hash, c_hash)
    dist = popcount32(hashes[:, :, None] ^ c_hash[:, None, :])
    assign = jnp.argmin(dist, axis=-1)
    counts = jnp.maximum(jnp.sum(jax.nn.one_hot(assign, CLUSTERS, dtype=jnp.float32), axis=1), 1.0)
    return assign, counts


def _forward(queries, keys, values):
    # inputs: [N, L, H, E] as in the torch module (permuted internally)
    q = jnp.transpose(queries, (0, 2, 1, 3))
    k = jnp.transpose(keys, (0, 2, 1, 3))
    v = jnp.transpose(values, (0, 2, 1, 3))
    N, H, L, E = q.shape
    D = v.shape[-1]
    softmax_temp = 1.0 / sqrt(E)
    planes = jax.random.normal(jax.random.key(42), (BITS, E + 1), dtype=jnp.float32)
    # cluster assignment is discrete -> no gradient path (matches torch custom autograd fns)
    q_sg = jax.lax.stop_gradient(q)
    hashes = compute_hashes(q_sg.reshape(N * H * L, E), planes).reshape(N * H, L)
    clusters, counts = lloyd_cluster(hashes)  # [NH, L], [NH, C]
    sorted_idx = jnp.argsort(clusters, axis=-1)
    sorted_clusters = jnp.take_along_axis(clusters, sorted_idx, axis=-1)
    qf = q.reshape(N * H, L, E)
    s_q = jnp.take_along_axis(qf, sorted_idx[:, :, None], axis=1)  # gather sorted queries
    Q_sum = jax.vmap(lambda x, c: jax.ops.segment_sum(x, c, num_segments=CLUSTERS))(s_q, sorted_clusters)
    Qg = (Q_sum / counts[:, :, None]).reshape(N, H, CLUSTERS, E)  # grouped (mean) queries
    QK = jnp.einsum('nhce,nhse->nhcs', Qg, k)
    # key_lengths full -> additive mask is zeros; dropout in eval mode -> identity
    A = jax.nn.softmax(softmax_temp * QK, axis=-1)
    Vc = jnp.einsum('nhcs,nhsd->nhcd', A, v)  # [N, H, C, D]
    Vcf = Vc.reshape(N * H, CLUSTERS, D)
    Vb = jnp.take_along_axis(Vcf, sorted_clusters[:, :, None], axis=1)  # broadcast to sorted positions
    rev = jnp.argsort(sorted_idx, axis=-1)
    Vn = jnp.take_along_axis(Vb, rev[:, :, None], axis=1).reshape(N, H, L, D)
    return jnp.transpose(Vn, (0, 2, 1, 3))


def setup_inputs(seed: int = 0) -> dict:
    key = jax.random.key(seed)
    kq, kk, kv = jax.random.split(key, 3)
    N, L, H, E = 2, 4096, 16, 64
    return {
        'queries': jax.random.normal(kq, (N, L, H, E), dtype=jnp.float32),
        'keys': jax.random.normal(kk, (N, L, H, E), dtype=jnp.float32),
        'values': jax.random.normal(kv, (N, L, H, E), dtype=jnp.float32),
    }


def reference(queries, keys, values):
    return _forward(queries, keys, values)

if __name__ == "__main__":
    import jax
    _d = setup_inputs()
    print(jax.jit(kernel)(*tuple(_d.values())))

</pallas_src>

<mosaic_0001>
module attributes {stable_mosaic.version = 14 : i64} {
  func.func @_ca_kernel(%arg0: i32, %arg1: memref<64x32xf32, #tpu.memory_space<vmem>>, %arg2: memref<1x32xf32, #tpu.memory_space<vmem>>, %arg3: memref<128x1xi32, #tpu.memory_space<vmem>>, %arg4: memref<1x4096x64xf32, #tpu.memory_space<vmem>>, %arg5: memref<1x4096x64xf32, #tpu.memory_space<vmem>>, %arg6: memref<1x4096x64xf32, #tpu.memory_space<vmem>>, %arg7: memref<1x4096x64xf32, #tpu.memory_space<vmem>>) attributes {dimension_semantics = [#tpu.dimension_semantics<arbitrary>], iteration_bounds = array<i64: 32>, scalar_prefetch = 0 : i64, scratch_operands = 0 : i64, tpu.core_type = #tpu.core_type<tc>, window_params = [{pipeline_mode = #tpu.pipeline_mode<synchronous>, transform_indices = @transform_0, window_bounds = array<i64: 64, 32>}, {pipeline_mode = #tpu.pipeline_mode<synchronous>, transform_indices = @transform_1, window_bounds = array<i64: 1, 32>}, {pipeline_mode = #tpu.pipeline_mode<synchronous>, transform_indices = @transform_2, window_bounds = array<i64: 128, 1>}, {transform_indices = @transform_3, window_bounds = array<i64: 1, 4096, 64>}, {transform_indices = @transform_4, window_bounds = array<i64: 1, 4096, 64>}, {transform_indices = @transform_5, window_bounds = array<i64: 1, 4096, 64>}, {transform_indices = @transform_6, window_bounds = array<i64: 1, 4096, 64>}]} {
    %get3A = arith.constant 0 : index
    %get3A_0 = arith.constant 0 : index
    %get3A_1 = arith.constant 0 : index
    %get3A_2 = vector.load %arg4[%get3A, %get3A_0, %get3A_1] : memref<1x4096x64xf32, #tpu.memory_space<vmem>>, vector<1x4096x64xf32>
    %get3A_3 = vector.shape_cast %get3A_2 : vector<1x4096x64xf32> to vector<4096x64xf32>
    %get3A_4 = arith.constant 0 : index
    %get3A_5 = arith.constant 0 : index
    %get3A_6 = arith.constant 0 : index
    %get3A_7 = vector.load %arg5[%get3A_4, %get3A_5, %get3A_6] : memref<1x4096x64xf32, #tpu.memory_space<vmem>>, vector<1x4096x64xf32>
    %get3A_8 = vector.shape_cast %get3A_7 : vector<1x4096x64xf32> to vector<4096x64xf32>
    %get3A_9 = arith.constant 0 : index
    %get3A_10 = arith.constant 0 : index
    %get3A_11 = arith.constant 0 : index
    %get3A_12 = vector.load %arg6[%get3A_9, %get3A_10, %get3A_11] : memref<1x4096x64xf32, #tpu.memory_space<vmem>>, vector<1x4096x64xf32>
    %get3A_13 = vector.shape_cast %get3A_12 : vector<1x4096x64xf32> to vector<4096x64xf32>
    %get3A_14 = arith.constant 0 : index
    %get3A_15 = arith.constant 0 : index
    %get3A_16 = vector.load %arg1[%get3A_14, %get3A_15] : memref<64x32xf32, #tpu.memory_space<vmem>>, vector<64x32xf32>
    %dot_general3A = arith.constant dense<0.000000e+00> : vector<4096x32xf32>
    %dot_general3A_17 = tpu.matmul %get3A_3, %get3A_16, %dot_general3A {dimension_numbers = #tpu.dot_dimension_numbers<[1], [0], [0], [1], [0, 0, 1, 1], [], []>, transpose_lhs_hint = false} : vector<4096x64xf32>, vector<64x32xf32>, vector<4096x32xf32> -> vector<4096x32xf32>
    %get3A_18 = arith.constant 0 : index
    %get3A_19 = arith.constant 0 : index
    %get3A_20 = vector.load %arg2[%get3A_18, %get3A_19] : memref<1x32xf32, #tpu.memory_space<vmem>>, vector<1x32xf32>
    %add3A = vector.broadcast %get3A_20 : vector<1x32xf32> to vector<4096x32xf32>
    %add3A_21 = arith.addf %dot_general3A_17, %add3A : vector<4096x32xf32>
    %gt3A = arith.constant 0.000000e+00 : f32
    %gt3A_22 = vector.broadcast %gt3A : f32 to vector<4096x32xf32>
    %gt3A_23 = arith.cmpf ogt, %add3A_21, %gt3A_22 : vector<4096x32xf32>
    %convert_element_type3A = arith.extui %gt3A_23 : vector<4096x32xi1> to vector<4096x32xi32>
    %convert_element_type3A_24 = arith.sitofp %convert_element_type3A : vector<4096x32xi32> to vector<4096x32xf32>
    %iota3A = tpu.iota {dimensions = array<i32: 0>} : vector<128x4096xi32>
    %iota3A_25 = tpu.iota {dimensions = array<i32: 1>} : vector<128x4096xi32>
    %get3A_26 = arith.constant 0 : index
    %get3A_27 = arith.constant 0 : index
    %get3A_28 = vector.load %arg3[%get3A_26, %get3A_27] : memref<128x1xi32, #tpu.memory_space<vmem>>, vector<128x1xi32>
    %eq3A = vector.broadcast %get3A_28 : vector<128x1xi32> to vector<128x4096xi32>
    %eq3A_29 = arith.cmpi eq, %iota3A_25, %eq3A : vector<128x4096xi32>
    %convert_element_type3A_30 = arith.extui %eq3A_29 : vector<128x4096xi1> to vector<128x4096xi32>
    %convert_element_type3A_31 = arith.sitofp %convert_element_type3A_30 : vector<128x4096xi32> to vector<128x4096xf32>
    %dot_general3A_32 = arith.constant dense<0.000000e+00> : vector<128x32xf32>
    %dot_general3A_33 = tpu.matmul %convert_element_type3A_31, %convert_element_type3A_24, %dot_general3A_32 {dimension_numbers = #tpu.dot_dimension_numbers<[1], [0], [0], [1], [0, 0, 1, 1], [], []>, transpose_lhs_hint = false} : vector<128x4096xf32>, vector<4096x32xf32>, vector<128x32xf32> -> vector<128x32xf32>
    %scan3A = arith.constant 0 : i32
    %scan3A_34 = arith.constant 10 : i32
    %scan3A_35 = arith.addi %scan3A, %scan3A_34 : i32
    %scan3A_36 = arith.constant 1 : i32
    %scan3A_37 = scf.for %scan3A_87 = %scan3A to %scan3A_35 step %scan3A_36 iter_args(%scan3A_88 = %dot_general3A_33) -> (vector<128x32xf32>)  : i32 {
      %reduce_sum3A_89 = arith.constant dense<0.000000e+00> : vector<128xf32>
      %reduce_sum3A_90 = vector.multi_reduction <add>, %scan3A_88, %reduce_sum3A_89 [1] : vector<128x32xf32> to vector<128xf32>
      %broadcast_in_dim3A_91 = vector.shape_cast %reduce_sum3A_90 : vector<128xf32> to vector<128x1xf32>
      %dot_general3A_92 = arith.constant dense<0.000000e+00> : vector<128x4096xf32>
      %dot_general3A_93 = tpu.matmul %scan3A_88, %convert_element_type3A_24, %dot_general3A_92 {dimension_numbers = #tpu.dot_dimension_numbers<[1], [1], [0], [0], [0, 0, 1, 0], [], []>, transpose_lhs_hint = false} : vector<128x32xf32>, vector<4096x32xf32>, vector<128x4096xf32> -> vector<128x4096xf32>
      %mul3A_94 = arith.constant 2.000000e+00 : f32
      %mul3A_95 = vector.broadcast %mul3A_94 : f32 to vector<128x4096xf32>
      %mul3A_96 = arith.mulf %mul3A_95, %dot_general3A_93 : vector<128x4096xf32>
      %sub3A_97 = vector.broadcast %broadcast_in_dim3A_91 : vector<128x1xf32> to vector<128x4096xf32>
      %sub3A_98 = arith.subf %sub3A_97, %mul3A_96 : vector<128x4096xf32>
      %reduce_min3A_99 = arith.constant dense<0x7F800000> : vector<4096xf32>
      %reduce_min3A_100 = vector.multi_reduction <minimumf>, %sub3A_98, %reduce_min3A_99 [0] : vector<128x4096xf32> to vector<4096xf32>
      %broadcast_in_dim3A_101 = vector.shape_cast %reduce_min3A_100 : vector<4096xf32> to vector<1x4096xf32>
      %eq3A_102 = vector.broadcast %broadcast_in_dim3A_101 : vector<1x4096xf32> to vector<128x4096xf32>
      %eq3A_103 = arith.cmpf oeq, %sub3A_98, %eq3A_102 : vector<128x4096xf32>
      %jit3A_104 = arith.constant 128 : i32
      %broadcast_in_dim3A_105 = vector.broadcast %jit3A_104 : i32 to vector<128x4096xi32>
      %select_n3A_106 = arith.select %eq3A_103, %iota3A, %broadcast_in_dim3A_105 : vector<128x4096xi1>, vector<128x4096xi32>
      %reduce_min3A_107 = arith.constant dense<2147483647> : vector<4096xi32>
      %reduce_min3A_108 = vector.multi_reduction <minsi>, %select_n3A_106, %reduce_min3A_107 [0] : vector<128x4096xi32> to vector<4096xi32>
      %broadcast_in_dim3A_109 = vector.shape_cast %reduce_min3A_108 : vector<4096xi32> to vector<1x4096xi32>
      %eq3A_110 = vector.broadcast %broadcast_in_dim3A_109 : vector<1x4096xi32> to vector<128x4096xi32>
      %eq3A_111 = arith.cmpi eq, %iota3A, %eq3A_110 : vector<128x4096xi32>
      %convert_element_type3A_112 = arith.extui %eq3A_111 : vector<128x4096xi1> to vector<128x4096xi32>
      %convert_element_type3A_113 = arith.sitofp %convert_element_type3A_112 : vector<128x4096xi32> to vector<128x4096xf32>
      %reduce_sum3A_114 = arith.constant dense<0.000000e+00> : vector<128xf32>
      %reduce_sum3A_115 = vector.multi_reduction <add>, %convert_element_type3A_113, %reduce_sum3A_114 [1] : vector<128x4096xf32> to vector<128xf32>
      %broadcast_in_dim3A_116 = vector.shape_cast %reduce_sum3A_115 : vector<128xf32> to vector<128x1xf32>
      %dot_general3A_117 = arith.constant dense<0.000000e+00> : vector<128x32xf32>
      %dot_general3A_118 = tpu.matmul %convert_element_type3A_113, %convert_element_type3A_24, %dot_general3A_117 {dimension_numbers = #tpu.dot_dimension_numbers<[1], [0], [0], [1], [0, 0, 1, 1], [], []>, transpose_lhs_hint = false} : vector<128x4096xf32>, vector<4096x32xf32>, vector<128x32xf32> -> vector<128x32xf32>
      %mul3A_119 = arith.constant 2.000000e+00 : f32
      %mul3A_120 = vector.broadcast %mul3A_119 : f32 to vector<128x32xf32>
      %mul3A_121 = arith.mulf %dot_general3A_118, %mul3A_120 : vector<128x32xf32>
      %gt3A_122 = vector.broadcast %broadcast_in_dim3A_116 : vector<128x1xf32> to vector<128x32xf32>
      %gt3A_123 = arith.cmpf ogt, %mul3A_121, %gt3A_122 : vector<128x32xf32>
      %convert_element_type3A_124 = arith.extui %gt3A_123 : vector<128x32xi1> to vector<128x32xi32>
      %convert_element_type3A_125 = arith.sitofp %convert_element_type3A_124 : vector<128x32xi32> to vector<128x32xf32>
      %gt3A_126 = arith.constant 0.000000e+00 : f32
      %gt3A_127 = vector.broadcast %gt3A_126 : f32 to vector<128x1xf32>
      %gt3A_128 = arith.cmpf ogt, %broadcast_in_dim3A_116, %gt3A_127 : vector<128x1xf32>
      %broadcast_in_dim3A_129 = vector.shape_cast %gt3A_128 : vector<128x1xi1> to vector<128x1xi1>
      %broadcast_in_dim3A_130 = vector.broadcast %broadcast_in_dim3A_129 : vector<128x1xi1> to vector<128x32xi1>
      %select_n3A_131 = arith.select %broadcast_in_dim3A_130, %convert_element_type3A_125, %scan3A_88 : vector<128x32xi1>, vector<128x32xf32>
      scf.yield %select_n3A_131 : vector<128x32xf32>
    }
    %reduce_sum3A = arith.constant dense<0.000000e+00> : vector<128xf32>
    %reduce_sum3A_38 = vector.multi_reduction <add>, %scan3A_37, %reduce_sum3A [1] : vector<128x32xf32> to vector<128xf32>
    %broadcast_in_dim3A = vector.shape_cast %reduce_sum3A_38 : vector<128xf32> to vector<128x1xf32>
    %dot_general3A_39 = arith.constant dense<0.000000e+00> : vector<128x4096xf32>
    %dot_general3A_40 = tpu.matmul %scan3A_37, %convert_element_type3A_24, %dot_general3A_39 {dimension_numbers = #tpu.dot_dimension_numbers<[1], [1], [0], [0], [0, 0, 1, 0], [], []>, transpose_lhs_hint = false} : vector<128x32xf32>, vector<4096x32xf32>, vector<128x4096xf32> -> vector<128x4096xf32>
    %mul3A = arith.constant 2.000000e+00 : f32
    %mul3A_41 = vector.broadcast %mul3A : f32 to vector<128x4096xf32>
    %mul3A_42 = arith.mulf %mul3A_41, %dot_general3A_40 : vector<128x4096xf32>
    %sub3A = vector.broadcast %broadcast_in_dim3A : vector<128x1xf32> to vector<128x4096xf32>
    %sub3A_43 = arith.subf %sub3A, %mul3A_42 : vector<128x4096xf32>
    %reduce_min3A = arith.constant dense<0x7F800000> : vector<4096xf32>
    %reduce_min3A_44 = vector.multi_reduction <minimumf>, %sub3A_43, %reduce_min3A [0] : vector<128x4096xf32> to vector<4096xf32>
    %broadcast_in_dim3A_45 = vector.shape_cast %reduce_min3A_44 : vector<4096xf32> to vector<1x4096xf32>
    %eq3A_46 = vector.broadcast %broadcast_in_dim3A_45 : vector<1x4096xf32> to vector<128x4096xf32>
    %eq3A_47 = arith.cmpf oeq, %sub3A_43, %eq3A_46 : vector<128x4096xf32>
    %jit3A = arith.constant 128 : i32
    %broadcast_in_dim3A_48 = vector.broadcast %jit3A : i32 to vector<128x4096xi32>
    %select_n3A = arith.select %eq3A_47, %iota3A, %broadcast_in_dim3A_48 : vector<128x4096xi1>, vector<128x4096xi32>
    %reduce_min3A_49 = arith.constant dense<2147483647> : vector<4096xi32>
    %reduce_min3A_50 = vector.multi_reduction <minsi>, %select_n3A, %reduce_min3A_49 [0] : vector<128x4096xi32> to vector<4096xi32>
    %broadcast_in_dim3A_51 = vector.shape_cast %reduce_min3A_50 : vector<4096xi32> to vector<1x4096xi32>
    %eq3A_52 = vector.broadcast %broadcast_in_dim3A_51 : vector<1x4096xi32> to vector<128x4096xi32>
    %eq3A_53 = arith.cmpi eq, %iota3A, %eq3A_52 : vector<128x4096xi32>
    %convert_element_type3A_54 = arith.extui %eq3A_53 : vector<128x4096xi1> to vector<128x4096xi32>
    %convert_element_type3A_55 = arith.sitofp %convert_element_type3A_54 : vector<128x4096xi32> to vector<128x4096xf32>
    %reduce_sum3A_56 = arith.constant dense<0.000000e+00> : vector<128xf32>
    %reduce_sum3A_57 = vector.multi_reduction <add>, %convert_element_type3A_55, %reduce_sum3A_56 [1] : vector<128x4096xf32> to vector<128xf32>
    %broadcast_in_dim3A_58 = vector.shape_cast %reduce_sum3A_57 : vector<128xf32> to vector<128x1xf32>
    %max3A = arith.constant 1.000000e+00 : f32
    %max3A_59 = vector.broadcast %max3A : f32 to vector<128x1xf32>
    %max3A_60 = arith.maximumf %broadcast_in_dim3A_58, %max3A_59 : vector<128x1xf32>
    %dot_general3A_61 = arith.constant dense<0.000000e+00> : vector<128x64xf32>
    %dot_general3A_62 = tpu.matmul %convert_element_type3A_55, %get3A_3, %dot_general3A_61 {dimension_numbers = #tpu.dot_dimension_numbers<[1], [0], [0], [1], [0, 0, 1, 1], [], []>, transpose_lhs_hint = false} : vector<128x4096xf32>, vector<4096x64xf32>, vector<128x64xf32> -> vector<128x64xf32>
    %div3A = vector.broadcast %max3A_60 : vector<128x1xf32> to vector<128x64xf32>
    %div3A_63 = arith.divf %dot_general3A_62, %div3A : vector<128x64xf32>
    %dot_general3A_64 = arith.constant dense<0.000000e+00> : vector<128x4096xf32>
    %dot_general3A_65 = tpu.matmul %div3A_63, %get3A_8, %dot_general3A_64 {dimension_numbers = #tpu.dot_dimension_numbers<[1], [1], [0], [0], [0, 0, 1, 0], [], []>, transpose_lhs_hint = false} : vector<128x64xf32>, vector<4096x64xf32>, vector<128x4096xf32> -> vector<128x4096xf32>
    %mul3A_66 = arith.constant 1.250000e-01 : f32
    %mul3A_67 = vector.broadcast %mul3A_66 : f32 to vector<128x4096xf32>
    %mul3A_68 = arith.mulf %dot_general3A_65, %mul3A_67 : vector<128x4096xf32>
    %reduce_max3A = arith.constant dense<0xFF800000> : vector<128xf32>
    %reduce_max3A_69 = vector.multi_reduction <maximumf>, %mul3A_68, %reduce_max3A [1] : vector<128x4096xf32> to vector<128xf32>
    %broadcast_in_dim3A_70 = vector.shape_cast %reduce_max3A_69 : vector<128xf32> to vector<128x1xf32>
    %sub3A_71 = vector.broadcast %broadcast_in_dim3A_70 : vector<128x1xf32> to vector<128x4096xf32>
    %sub3A_72 = arith.subf %mul3A_68, %sub3A_71 : vector<128x4096xf32>
    %exp3A = math.exp %sub3A_72 : vector<128x4096xf32>
    %reduce_sum3A_73 = arith.constant dense<0.000000e+00> : vector<128xf32>
    %reduce_sum3A_74 = vector.multi_reduction <add>, %exp3A, %reduce_sum3A_73 [1] : vector<128x4096xf32> to vector<128xf32>
    %broadcast_in_dim3A_75 = vector.shape_cast %reduce_sum3A_74 : vector<128xf32> to vector<128x1xf32>
    %div3A_76 = vector.broadcast %broadcast_in_dim3A_75 : vector<128x1xf32> to vector<128x4096xf32>
    %div3A_77 = arith.divf %exp3A, %div3A_76 : vector<128x4096xf32>
    %dot_general3A_78 = arith.constant dense<0.000000e+00> : vector<128x64xf32>
    %dot_general3A_79 = tpu.matmul %div3A_77, %get3A_13, %dot_general3A_78 {dimension_numbers = #tpu.dot_dimension_numbers<[1], [0], [0], [1], [0, 0, 1, 1], [], []>, transpose_lhs_hint = false} : vector<128x4096xf32>, vector<4096x64xf32>, vector<128x64xf32> -> vector<128x64xf32>
    %dot_general3A_80 = arith.constant dense<0.000000e+00> : vector<4096x64xf32>
    %dot_general3A_81 = tpu.matmul %convert_element_type3A_55, %dot_general3A_79, %dot_general3A_80 {dimension_numbers = #tpu.dot_dimension_numbers<[0], [0], [1], [1], [0, 1, 1, 1], [], []>, transpose_lhs_hint = false} : vector<128x4096xf32>, vector<128x64xf32>, vector<4096x64xf32> -> vector<4096x64xf32>
    %swap3A = arith.constant 0 : index
    %swap3A_82 = arith.constant 0 : index
    %swap3A_83 = arith.constant 0 : index
    %swap3A_84 = vector.load %arg7[%swap3A, %swap3A_82, %swap3A_83] : memref<1x4096x64xf32, #tpu.memory_space<vmem>>, vector<1x4096x64xf32>
    %swap3A_85 = vector.shape_cast %swap3A_84 : vector<1x4096x64xf32> to vector<4096x64xf32>
    %swap3A_86 = vector.shape_cast %dot_general3A_81 : vector<4096x64xf32> to vector<1x4096x64xf32>
    tpu.vector_store %arg7[%swap3A, %swap3A_82, %swap3A_83], %swap3A_86 {strides = array<i32>} : memref<1x4096x64xf32, #tpu.memory_space<vmem>>, vector<1x4096x64xf32>,
    return
  }
  func.func @transform_0(%arg0: i32) -> (i32, i32) {
    %c0_i32 = arith.constant 0 : i32
    %c0_i32_0 = arith.constant 0 : i32
    %c0_i32_1 = arith.constant 0 : i32
    return %c0_i32, %c0_i32_0 : i32, i32
  }
  func.func @transform_1(%arg0: i32) -> (i32, i32) {
    %c0_i32 = arith.constant 0 : i32
    %c0_i32_0 = arith.constant 0 : i32
    %c0_i32_1 = arith.constant 0 : i32
    return %c0_i32, %c0_i32_0 : i32, i32
  }
  func.func @transform_2(%arg0: i32) -> (i32, i32) {
    %c0_i32 = arith.constant 0 : i32
    %c0_i32_0 = arith.constant 0 : i32
    %c0_i32_1 = arith.constant 0 : i32
    return %c0_i32, %c0_i32_0 : i32, i32
  }
  func.func @transform_3(%arg0: i32) -> (i32, i32, i32) {
    %c0_i32 = arith.constant 0 : i32
    %c0_i32_0 = arith.constant 0 : i32
    %c0_i32_1 = arith.constant 0 : i32
    return %arg0, %c0_i32, %c0_i32_0 : i32, i32, i32
  }
  func.func @transform_4(%arg0: i32) -> (i32, i32, i32) {
    %c0_i32 = arith.constant 0 : i32
    %c0_i32_0 = arith.constant 0 : i32
    %c0_i32_1 = arith.constant 0 : i32
    return %arg0, %c0_i32, %c0_i32_0 : i32, i32, i32
  }
  func.func @transform_5(%arg0: i32) -> (i32, i32, i32) {
    %c0_i32 = arith.constant 0 : i32
    %c0_i32_0 = arith.constant 0 : i32
    %c0_i32_1 = arith.constant 0 : i32
    return %arg0, %c0_i32, %c0_i32_0 : i32, i32, i32
  }
  func.func @transform_6(%arg0: i32) -> (i32, i32, i32) {
    %c0_i32 = arith.constant 0 : i32
    %c0_i32_0 = arith.constant 0 : i32
    %c0_i32_1 = arith.constant 0 : i32
    return %arg0, %c0_i32, %c0_i32_0 : i32, i32, i32
  }
}

</mosaic_0001>

<sc_bundles>
// kernel: sparse-core-data-format-call.1.cloned.1.call-start
scs
called_computation.1_lowered:
.L_overlay_start_0:
0x0: {  	s2 =	sld [smem:$0x3FD9]  }
0x1: {  	s3 =	sld [smem:$0x3FFE];
	_ =	sdelay $0x1  }
0x2: {  	s1 =	srdreg.scid  }
0x3: {  	s0 =	sand.u32 $0x1, s1  }
0x4: {  	s18 =	sshll.u32 s0, $0xA;
	s2 =	sadd.s32 s3, s2  }
0x5: {  	s2 =	sadd.s32 s2, s18  }
0x6: {  	[smem:$0x3FC5] =	sst s2  }
0x7: {  	_ = 	snop  }
0x8: {  	s19 =	sld [smem:$0x3FC7];
	(tm) =	ssettm $0x1  }
0x9: {  	s20 =	sld [smem:$0x3FFB];
	_ =	sdelay $0x3  }
0xa: {  	_ =	strace s20  }
0xb: {  	s2 =	sld [smem:$0x3FFC];
	_ =	sdelay $0x3  }
0xc: {  	_ =	strace s2  }
0xd: {  	s2 =	sld [smem:$0x3FFD];
	_ =	sdelay $0x3  }
0xe: {  	_ =	strace s2  }
0xf: {  	_ =	strace $0x8FFFFFFF  }
0x10: {  	s21 =	sld [smem:$0x3FDB];
	_ =	sdelay $0x1  }
0x11: {  	s4 =	simm.s32 $_scs_section_size  }
0x12: {  	s5 =	simm.s32 $_size__tile_overlayer_lowered;
	s6 =	simm.s32 $_tile_overlayer_lowered  }
0x13: {  	s7 =	simm.s32 $0x1BFF;
	s22 =	sshll.u32 s6, $0x1;
	s4 =	sadd.s32 s4, s21  }
0x14: {  	s23 =	simm.s32 $0x0;
	s5 =	sshll.u32 s5, $0x1;
	s6 =	sadd.s32 s22, s4  }
0x15: {  	[timem:s23], [sflag:s7] =	dma.local [hbm:s6], s5  }
0x16: {  	_ =	swait.ge [sflag:s7], s5  }
0x17: {  	s5 =	ssub.s32 $0x0, s5;
	[sflag:s7] =	ssyncset.done $0x0  }
0x18: {  	[sflag:s7] =	ssyncadd.s32 s5;
	_ =	sdelay $0x1  }
0x19: {  	s24 =	simm.s32 $0x1B8B  }
0x1a: {  	_ =	swait.ge [sflag:s24], $0x1  }
0x1b: {  	[sflag:s24] =	ssyncset.done $0x0  }
0x1c: {  	[sflag:s24] =	ssyncadd.s32 $0xFFFFFFFF  }
0x1d: {  	s5 =	sld [smem:$0x0]  }
0x1e: {  	s6 =	sand.u32 $0xFFFFFFFE, s1  }
0x1f: {  	p0 =	sne.s32 s1, s6  }
0x20: {  	s6 =	sshll.u32 @p0 s6, $0xE  }
0x21: {  	s6 =	sadd.s32 @p0 $0x11B8D, s6;
	s7 =	sshll.u32 @p0 s5, $0x11  }
0x22: {  	s6 =	sor.u32 @p0 s7, s6  }
0x23: {  	[sflag:s6] =	ssyncadd.remote.s32 @p0 $0x1;
	_ =	sdelay $0x1  }
0x24: {  	s6 =	simm.s32 @p0 $0x1B8D  }
0x25: {  	_ =	swait.eq @p0 [sflag:s6], $0x1  }
0x26: {  	[sflag:s6] =	ssyncadd.s32 @p0 $0xFFFFFFFF  }
0x27: {  	s7 =	sshll.u32 @!p0 s1, $0xE  }
0x28: {  	s7 =	sor.u32 @!p0 $0x4000, s7;
	s6 =	simm.s32 @!p0 $0x1B8D  }
0x29: {  	s5 =	sshll.u32 @!p0 s5, $0x11;
	s7 =	sadd.s32 @!p0 $0x11B8D, s7;
	_ =	swait.eq @!p0 [sflag:s6], $0x1  }
0x2a: {  	s5 =	sor.u32 @!p0 s5, s7;
	[sflag:s6] =	ssyncadd.s32 @!p0 $0xFFFFFFFF  }
0x2b: {  	s26 =	simm.s32 $0x1B8E;
	s25 =	sld [smem:$0x3FFE];
	[sflag:s5] =	ssyncadd.remote.s32 @!p0 $0x1  }
0x2c: {  	s27 =	simm.s32 $execute0_lowered;
	[smem:$0x3FD2] =	sst s26  }
0x2d: {  	s6 =	sshll.u32 s27, $0x1;
	_ =	strace $0x8000004C;
	[dreg:$0x1] =	wrdreg $0xFFFFFFFF  }
0x2e: {  	s28 =	simm.s32 $_size_execute0_lowered;
	s4 =	sadd.s32 s4, s6;
	[dreg:$0x0] =	wrdreg $0x0  }
0x2f: {  	s6 =	sshll.u32 s28, $0x1;
	[dreg:$0x2] =	wrdreg s4  }
0x30: {  	[dreg:$0x3] =	wrdreg s6  }
0x31: {  	[dreg:$0x4] =	wrdreg $0xC0  }
0x32: {  	_ =	task [dreg:s23], $0x5FFFF  }
0x33: {  	[dreg:$0x1] =	wrdreg $0xFFFFFFFF  }
0x34: {  	[dreg:$0x0] =	wrdreg $0x60  }
0x35: {  	[dreg:$0x2] =	wrdreg s19  }
0x36: {  	[dreg:$0x3] =	wrdreg s25  }
0x37: {  	[dreg:$0x4] =	wrdreg $0x9  }
0x38: {  	_ =	task.clear_ibuf [dreg:s23], $0x5FFFF;
	_ =	strace $0x9000004C  }
0x39: {  	s29 =	simm.s32 $0x9;
	_ =	strace $0x8000004E  }
0x3a: {  	_ =	swait.ge [sflag:s29], $0x1  }
0x3b: {  	[sflag:s29] =	ssyncadd.s32 $0xFFFFFFFF  }
0x3c: {  	_ =	strace $0x9000004E  }
0x3d: {  	_ =	sfence  }
0x3e: {  	s30 =	sld [smem:$0x0];
	_ =	sdelay $0x2  }
0x3f: {  	s31 =	sshll.u32 s1, $0xD;
	s1 =	sshrl.u32 s1, $0x2  }
0x40: {  	s4 =	sand.u32 $0x4000, s31;
	s1 =	sadd.s32 s1, s30  }
0x41: {  	s0 =	sor.u32 s4, s0;
	s1 =	sshll.u32 s1, $0x11  }
0x42: {  	s0 =	sor.u32 s1, s0  }
0x43: {  	s0 =	sadd.s32 $0x8F2B, s0  }
0x44: {  	[sflag:s0] =	ssyncadd.remote.s32 $0x1  }
0x45: {  	_ =	sfence.sel $0xFFFF  }
0x46: {  	[dreg:$0x0] =	wrdreg $0xFFFFFFFF;
	(pc) =	sbr.abs _section_cstart, $3  }
0x47: {  	[dreg:$0x1] =	wrdreg $0xFFFFFFFF  }
0x48: {  	_ =	task.clear_ibuf [dreg:s23], $0x2FFFF;
	_ =	strace $0x9FFFFFFF  }
0x49: {  	(tm) =	ssettm $0x7FFFFFFF  }
tec
execute0_lowered:
.L_overlay_start_1:
0x0: {  	(tag) =	ssettag $0x1  }
0x1: {  	s2 =	rddreg [dreg:$0x0]  }
0x2: {  	s4 =	rddreg [dreg:$0x1]  }
0x3: {  	s0 =	rddreg [dreg:$0x2];
	s1 =	stileid.u32  }
0x4: {  	_ =	strace $0x8000004D;
	s5 =	srdreg.scid;
	s9 =	simm.s32 $0x2  }
0x5: {  	s18 =	simm.s32 $0x0;
	p0 =	por $0x0, $0x0;
	s15 =	simm.s32 $0x0  }
0x6: {  	s16 =	simm.s32 $0x0;
	s17 =	simm.s32 $0x0;
	s10 =	simm.s32 $0x0  }
0x7: {  	s11 =	simm.s32 $0x0;
	s14 =	simm.s32 $0x0;
	s3 =	sand.u32 $0x1, s1  }
0x8: {  	s4 =	sadd.s32 $0x401200, s4;
	s5 =	sshll.u32 s5, $0x4;
	s6 =	ssub.s32 $0x2, s3  }
.Ltmp0:
0x9: {  	s5 =	sand.u32 $0x10, s5;
	s7 =	sshrl.u32 s6, $0x1;
	(pc) =	sbr.rel .LBB1_1-.Ltmp0, $4  }
0xa: {  	s6 =	sand.u32 $0x1, s6;
	s8 =	sor.u32 s1, s5;
	s5 =	simm.s32 $0x1  }
0xb: {  	s13 =	smov.u32 s3;
	s6 =	sadd.s32 s6, s7;
	[sflag:s5] =	ssyncpa.u1 $0x0  }
0xc: {  	s7 =	sshrl.u32 s8, $0x1;
	s6 =	sshll.u32 s6, $0x4;
	[sflag:s9] =	ssyncpa.u1 $0x0  }
0xd: {  	s9 =	simm.s32 $0x80;
	s12 =	smov.u32 s7;
	s8 =	sor.u32 $0x1, s6  }
.LBB1_4:
0xe: {  	_ = 	snop  }
0xf: {  	[tilespmem:s23+$0x1860 ss:$0x41] =	vst.msk $0xffff, v8  }
0x10: {  	[tilespmem:s23+$0x1C70 ss:$0x41] =	vst.msk $0xffff, v7  }
0x11: {  	[tilespmem:s23+$0x2490 ss:$0x41] =	vst.msk $0xffff, v1  }
0x12: {  	s26 =	sor.u32 s29, s28;
	v47 =	vld.idx.msk [tilespmem:v0+s21+$0x470 ss:$0x1], $0xffff;
	[tilespmem:s23+$0x28A0 ss:$0x41] =	vst.msk $0xffff, v2  }
0x13: {  	[tilespmem:s23+$0x2CB0 ss:$0x41] =	vst.msk $0xffff, v3;
	v57 =	vld.idx.msk [tilespmem:v0+s26+$0x410 ss:$0x1], $0xffff  }
0x14: {  	[tilespmem:s23+$0x30C0 ss:$0x41] =	vst.msk $0xffff, v4;
	s27 =	sand.u32 $0x3B00, s26;
	v58 =	vld.idx.msk [tilespmem:v0+s26+$0x420 ss:$0x1], $0xffff  }
0x15: {  	s25 =	sand.u32 $0x80, s25;
	[tilespmem:s23+$0x34D0 ss:$0x41] =	vst.msk $0xffff, v5;
	v59 =	vld.idx.msk [tilespmem:v0+s26+$0x430 ss:$0x1], $0xffff;
	s20 =	sadd.s32 s27, s20  }
0x16: {  	[tilespmem:s23+$0x38E0 ss:$0x41] =	vst.msk $0xffff, v6;
	v60 =	vld.idx.msk [tilespmem:v0+s26+$0x440 ss:$0x1], $0xffff;
	s20 =	sadd.s32 s25, s20;
	s25 =	sshra.s32 s24, $0x2  }
0x17: {  	v61 =	vld.idx.msk [tilespmem:v0+s26+$0x450 ss:$0x1], $0xffff;
	s21 =	sadd.s32 s25, s22;
	[tilespmem:s23+$0x3CF0 ss:$0x41] =	vst.msk $0xffff, v47  }
0x18: {  	v62 =	vld.idx.msk [tilespmem:v0+s26+$0x460 ss:$0x1], $0xffff;
	[tilespmem:s21+$0x2490 ss:$0x41] =	vst.msk $0xffff, v57  }
0x19: {  	v63 =	vld.idx.msk [tilespmem:v0+s26+$0x470 ss:$0x1], $0xffff;
	[tilespmem:s21+$0x28A0 ss:$0x41] =	vst.msk $0xffff, v58  }
0x1a: {  	v48 =	vld [tilespmem:s20+$0x400];
	[tilespmem:s21+$0x2CB0 ss:$0x41] =	vst.msk $0xffff, v59  }
0x1b: {  	v49 =	vld [tilespmem:s20+$0x0];
	[tilespmem:s21+$0x30C0 ss:$0x41] =	vst.msk $0xffff, v60  }
0x1c: {  	v50 =	vld [tilespmem:s20+$0x10];
	[tilespmem:s21+$0x34D0 ss:$0x41] =	vst.msk $0xffff, v61  }
0x1d: {  	v51 =	vld [tilespmem:s20+$0x20];
	[tilespmem:s21+$0x38E0 ss:$0x41] =	vst.msk $0xffff, v62  }
0x1e: {  	v52 =	vld [tilespmem:s20+$0x30];
	[tilespmem:s21+$0x3CF0 ss:$0x41] =	vst.msk $0xffff, v63  }
0x1f: {  	v53 =	vld [tilespmem:s20+$0x40];
	[tilespmem:s21+$0x2080 ss:$0x41] =	vst.msk $0xffff, v48  }
0x20: {  	v54 =	vld [tilespmem:s20+$0x50];
	[tilespmem:s21+$0x0 ss:$0x41] =	vst.msk $0xffff, v49  }
0x21: {  	s18 =	sshll.u32 s18, $0x7;
	s17 =	sshll.u32 s17, $0x14;
	s27 =	sshll.u32 s15, $0x3;
	v55 =	vld [tilespmem:s20+$0x60];
	[tilespmem:s21+$0x410 ss:$0x41] =	vst.msk $0xffff, v50  }
0x22: {  	s16 =	sshll.u32 s16, $0x10;
	s28 =	sand.u32 $0x7FC00, s18;
	v56 =	vld [tilespmem:s20+$0x70];
	s20 =	sand.u32 $0x7FC00, s27;
	[tilespmem:s21+$0x820 ss:$0x41] =	vst.msk $0xffff, v51  }
0x23: {  	s29 =	sshrl.u32 s15, $0x3;
	s18 =	sand.u32 $0x380, s18;
	s20 =	sadd.s32 s20, s28;
	[tilespmem:s21+$0xC30 ss:$0x41] =	vst.msk $0xffff, v52  }
0x24: {  	s30 =	sand.u32 $0x7, s15;
	s17 =	sadd.s32 s4, s17;
	s18 =	sor.u32 s18, s20;
	[tilespmem:s21+$0x1040 ss:$0x41] =	vst.msk $0xffff, v53  }
0x25: {  	s16 =	sadd.s32 s16, s17;
	s20 =	sand.u32 $0xF, s29;
	s18 =	sshrl.u32 s18, $0x3;
	[tilespmem:s21+$0x1450 ss:$0x41] =	vst.msk $0xffff, v54  }
0x26: {  	s15 =	sshll.u32 s30, $0x12;
	s16 =	sadd.s32 s20, s16;
	s31 =	sand.u32 $0xFFF0, s18;
	[tilespmem:s21+$0x1860 ss:$0x41] =	vst.msk $0xffff, v55  }
0x27: {  	s15 =	sor.u32 $0x40, s15;
	[tilespmem:s21+$0x1C70 ss:$0x41] =	vst.msk $0xffff, v56;
	s16 =	sadd.s32 s31, s16  }
0x28: {  	[hbm4b:s16+s15] =	stream.strided.scatter [tilespmem:s19], [sflag:$0x2], $0x4000, s9, s15, $0x18;
	[tilespmem:$0x10200] =	vst v63  }
.LBB1_5:
0x29: {  	s19 =	sadd.s32 $0x100, s10  }
0x2a: {  	s15 =	sadd.s32 $0x40, s11;
	s20 =	smov.u32 s11;
	p2 =	sgt.s32 s19, $0xFFF  }
0x2b: {  	s20 =	smov.u32 @p2 s15  }
0x2c: {  	s21 =	smov.u32 s12;
	s15 =	sadd.s32 $0x10, s12;
	p3 =	sgt.s32 s20, $0x3F  }
0x2d: {  	s21 =	smov.u32 @p3 s15  }
0x2e: {  	s22 =	smov.u32 s13;
	s15 =	sadd.s32 $0x2, s13;
	p4 =	sgt.s32 s21, $0xF  }
0x2f: {  	p1 =	slt.u32 s14, $0x2;
	s22 =	smov.u32 @p4 s15  }
0x30: {  	s18 =	smov.u32 s10;
	s19 =	simm.s32 @p2 $0x0;
	p2 =	sgt.s32 s22, $0x1  }
0x31: {  	s23 =	simm.s32 @!p1 $0x2;
	s22 =	smov.u32 @p2 s3;
	p2 =	sne.s32 s14, s8  }
.Ltmp1:
0x32: {  	s16 =	smov.u32 s12;
	_ =	swait.ge @!p1 [sflag:s23], $0x4000;
	(pc) =	sbr.rel @!p2 .LBB1_6-.Ltmp1, $4  }
0x33: {  	s17 =	smov.u32 s13;
	p0 =	por !p0, !p0;
	[sflag:s23] =	ssyncset.done @!p1 $0x0  }
0x34: {  	s10 =	smov.u32 s19;
	s20 =	simm.s32 @p3 $0x0;
	[sflag:s23] =	ssyncadd.s32 @!p1 $0xFFFFC000  }
0x35: {  	s21 =	smov.u32 @p4 s7;
	s15 =	smov.u32 s11;
	s11 =	smov.u32 s20  }
0x36: {  	s12 =	smov.u32 s21;
	s14 =	sadd.s32 $0x1, s14;
	s13 =	smov.u32 s22  }
.LBB1_1:
0x37: {  	p1 =	sge.u32 s14, s6  }
0x38: {  	s31 =	sadd.s32 $0xFFFFFFFF, s14;
	s19 =	sxor.u32 @!p1 $0xFFFFFFFF, s14;
	s20 =	sand.u32 @!p1 $0x78, s10  }
0x39: {  	s21 =	sshll.u32 @!p1 s11, $0x7;
	s22 =	sshll.u32 @!p1 s11, $0xC;
	s23 =	sshll.u32 @!p1 s10, $0x3  }
0x3a: {  	s19 =	sshll.u32 @!p1 s19, $0xE;
	s21 =	sand.u32 @!p1 $0x380, s21;
	s22 =	sand.u32 @!p1 $0x38000, s22  }
0x3b: {  	s19 =	sand.u32 @!p1 $0x4000, s19;
	s20 =	sor.u32 @!p1 s21, s20;
	s21 =	sand.u32 @!p1 $0xC00, s23  }
0x3c: {  	s22 =	sadd.s32 @!p1 s22, s23;
	s20 =	sor.u32 @!p1 s21, s20;
	s21 =	sshll.u32 @!p1 s13, $0x13  }
0x3d: {  	s23 =	sshll.u32 @!p1 s12, $0xF;
	s22 =	sshrl.u32 @!p1 s22, $0x3;
	s21 =	sadd.s32 @!p1 s2, s21  }
0x3e: {  	s22 =	sand.u32 @!p1 $0x7E00, s22;
	s21 =	sadd.s32 @!p1 s23, s21;
	s23 =	sand.u32 @!p1 $0x7, s10  }
0x3f: {  	s20 =	sshrl.u32 @!p1 s20, $0x3;
	s21 =	sadd.s32 @!p1 s22, s21;
	s22 =	sshll.u32 @!p1 s23, $0x12  }
0x40: {  	s20 =	sadd.s32 @!p1 s20, s21;
	s21 =	sor.u32 @!p1 $0x800, s22;
	s22 =	simm.s32 @!p1 $0x8000  }
0x41: {  	[tilespmem:s19], [sflag:$0x1] =	stream.strided.gather @!p1 [hbm4b:s20+s21], $0x4000, s22, s21, $0x38;
	[tilespmem:$0x10200] =	vst v63  }
0x42: {  	p1 =	sge.u32 s31, s6  }
.Ltmp2:
0x43: {  	_ = 	snop;
	(pc) =	sbr.rel @p1 .LBB1_5-.Ltmp2, $1  }
0x44: {  	_ =	sdelay $0x3  }
0x45: {  	s22 =	simm.s32 $0x0  }
0x46: {  	s21 =	sand.u32 $0x3800, s22;
	s23 =	sand.u32 $0x380, s22  }
0x47: {  	s19 =	sand.u32 $0x1, s14;
	s21 =	sor.u32 s23, s21  }
0x48: {  	_ =	swait.ge [sflag:s5], $0x4000;
	s20 =	sshll.u32 s19, $0xE;
	s23 =	sand.u32 $0x3B00, s21  }
0x49: {  	[sflag:s5] =	ssyncset.done $0x0;
	s22 =	sand.u32 $0x80, s22;
	s23 =	sadd.s32 s23, s20  }
0x4a: {  	[sflag:s5] =	ssyncadd.s32 $0xFFFFC000;
	s25 =	sadd.s32 s22, s23  }
0x4b: {  	v4 =	vld [tilespmem:s25+$0x400]  }
0x4c: {  	s24 =	simm.s32 $0x1;
	v5 =	vld [tilespmem:s25+$0x0]  }
0x4d: {  	s24 =	simm.s32 @!p0 $0x0;
	v6 =	vld [tilespmem:s25+$0x10]  }
0x4e: {  	v0 =	vmov s20;
	s31 =	smul.u32 $0x10400, s24;
	v7 =	vld [tilespmem:s25+$0x20]  }
0x4f: {  	v9 =	vld [tilespmem:s25+$0x30]  }
0x50: {  	s22 =	sshrl.u32 s31, $0x2;
	v10 =	vld [tilespmem:s25+$0x40]  }
0x51: {  	s22 =	sor.u32 $0x8000, s22;
	v11 =	vld [tilespmem:s25+$0x50]  }
0x52: {  	v8 =	vld [tilespmem:s25+$0x60];
	s23 =	sadd.s32 $0x0, s22  }
0x53: {  	v1 =	vld.idx.msk [tilespmem:v0+s21+$0x410 ss:$0x1], $0xffff;
	[tilespmem:s23+$0x2080 ss:$0x41] =	vst.msk $0xffff, v4  }
0x54: {  	v2 =	vld.idx.msk [tilespmem:v0+s21+$0x420 ss:$0x1], $0xffff;
	[tilespmem:s23+$0x0 ss:$0x41] =	vst.msk $0xffff, v5  }
0x55: {  	v3 =	vld.idx.msk [tilespmem:v0+s21+$0x430 ss:$0x1], $0xffff;
	[tilespmem:s23+$0x410 ss:$0x41] =	vst.msk $0xffff, v6  }
0x56: {  	s19 =	smul.u32 $0x10400, s19;
	[tilespmem:s23+$0x820 ss:$0x41] =	vst.msk $0xffff, v7;
	v7 =	vld [tilespmem:s25+$0x70]  }
0x57: {  	s26 =	simm.s32 $0x100;
	s27 =	simm.s32 $0x8;
	[tilespmem:s23+$0xC30 ss:$0x41] =	vst.msk $0xffff, v9;
	v4 =	vld.idx.msk [tilespmem:v0+s21+$0x440 ss:$0x1], $0xffff  }
0x58: {  	s28 =	sand.u32 $0x3800, s26;
	s19 =	sshrl.u32 s19, $0x2;
	[tilespmem:s23+$0x1040 ss:$0x41] =	vst.msk $0xffff, v10;
	v5 =	vld.idx.msk [tilespmem:v0+s21+$0x450 ss:$0x1], $0xffff;
	s25 =	simm.s32 $0x80  }
0x59: {  	s24 =	simm.s32 $0x4;
	s19 =	sor.u32 $0x8000, s19;
	[tilespmem:s23+$0x1450 ss:$0x41] =	vst.msk $0xffff, v11;
	v6 =	vld.idx.msk [tilespmem:v0+s21+$0x460 ss:$0x1], $0xffff;
	s29 =	sand.u32 $0x380, s25  }
.LBB1_3:
0x5a: {  	p1 =	sne.s32 s27, $0xFC;
	[tilespmem:s23+$0x1860 ss:$0x41] =	vst.msk $0xffff, v8;
	v8 =	vld.idx.msk [tilespmem:v0+s21+$0x470 ss:$0x1], $0xffff;
	s21 =	sor.u32 s29, s28  }
0x5b: {  	s28 =	sand.u32 $0x3B00, s21;
	v9 =	vld.idx.msk [tilespmem:v0+s21+$0x410 ss:$0x1], $0xffff;
	[tilespmem:s23+$0x1C70 ss:$0x41] =	vst.msk $0xffff, v7  }
0x5c: {  	s29 =	sand.u32 $0x80, s25;
	s28 =	sadd.s32 s28, s20;
	v7 =	vld.idx.msk [tilespmem:v0+s21+$0x420 ss:$0x1], $0xffff;
	[tilespmem:s23+$0x2490 ss:$0x41] =	vst.msk $0xffff, v1  }
0x5d: {  	s28 =	sadd.s32 s29, s28;
	v10 =	vld.idx.msk [tilespmem:v0+s21+$0x430 ss:$0x1], $0xffff;
	[tilespmem:s23+$0x28A0 ss:$0x41] =	vst.msk $0xffff, v2  }
0x5e: {  	v11 =	vld [tilespmem:s28+$0x400];
	[tilespmem:s23+$0x2CB0 ss:$0x41] =	vst.msk $0xffff, v3  }
0x5f: {  	v12 =	vld [tilespmem:s28+$0x0];
	[tilespmem:s23+$0x30C0 ss:$0x41] =	vst.msk $0xffff, v4  }
0x60: {  	v4 =	vld [tilespmem:s28+$0x10];
	[tilespmem:s23+$0x34D0 ss:$0x41] =	vst.msk $0xffff, v5  }
0x61: {  	s29 =	sshra.s32 s24, $0x2;
	s24 =	smov.u32 s27;
	v1 =	vmov v9;
	v5 =	vld [tilespmem:s28+$0x20];
	[tilespmem:s23+$0x38E0 ss:$0x41] =	vst.msk $0xffff, v6  }
0x62: {  	v2 =	vmov v7;
	v6 =	vld [tilespmem:s28+$0x30];
	[tilespmem:s23+$0x3CF0 ss:$0x41] =	vst.msk $0xffff, v8;
	s23 =	sadd.s32 s29, s22  }
0x63: {  	v3 =	vmov v10;
	v9 =	vld [tilespmem:s28+$0x40];
	[tilespmem:s23+$0x2080 ss:$0x41] =	vst.msk $0xffff, v11  }
0x64: {  	[tilespmem:s23+$0x0 ss:$0x41] =	vst.msk $0xffff, v12;
	v10 =	vld [tilespmem:s28+$0x50]  }
.Ltmp3:
0x65: {  	[tilespmem:s23+$0x410 ss:$0x41] =	vst.msk $0xffff, v4;
	v8 =	vld [tilespmem:s28+$0x60];
	(pc) =	sbr.rel @p1 .LBB1_3-.Ltmp3, $4  }
0x66: {  	[tilespmem:s23+$0x820 ss:$0x41] =	vst.msk $0xffff, v5;
	v7 =	vld [tilespmem:s28+$0x70]  }
0x67: {  	[tilespmem:s23+$0xC30 ss:$0x41] =	vst.msk $0xffff, v6;
	v4 =	vld.idx.msk [tilespmem:v0+s21+$0x440 ss:$0x1], $0xffff  }
0x68: {  	s25 =	sadd.s32 $0x80, s25;
	s26 =	sadd.s32 $0x100, s26;
	[tilespmem:s23+$0x1040 ss:$0x41] =	vst.msk $0xffff, v9;
	v5 =	vld.idx.msk [tilespmem:v0+s21+$0x450 ss:$0x1], $0xffff  }
0x69: {  	s27 =	sadd.s32 $0x4, s27;
	s29 =	sand.u32 $0x380, s25;
	s28 =	sand.u32 $0x3800, s26;
	[tilespmem:s23+$0x1450 ss:$0x41] =	vst.msk $0xffff, v10;
	v6 =	vld.idx.msk [tilespmem:v0+s21+$0x460 ss:$0x1], $0xffff  }
.Ltmp4:
0x6a: {  	_ = 	snop;
	(pc) =	sbr.rel .LBB1_4-.Ltmp4, $1  }
0x6b: {  	_ =	sdelay $0x3  }
.LBB1_6:
0x6c: {  	_ =	sfence.sel $0x180000  }
0x6d: {  	s2 =	simm.s32 $0x1;
	[bflag:$0x0] =	sbarrier.arrive $0xFFFF  }
0x6e: {  	s31 =	simm.s32 $0x2;
	[sflag:s2] =	ssyncpa.u1 $0x1  }
0x6f: {  	[sflag:s31] =	ssyncpa.u1 $0x1  }
0x70: {  	p0 =	sne.s32 s1, $0x0;
	_ =	strace $0x9000004D  }
0x71: {  	s0 =	sadd.s32 @!p0 $0x100000, s0;
	[bflag:$0x2] =	sbarrier.arrive $0xFFFF  }
0x72: {  	[sflag:s0] =	ssyncadd.tile.s32 @!p0 $0x1;
	_ =	shalt  }
.Lfunc_end1:
_tile_overlayer_lowered:
.L_overlay_start_2:
0x73: {  	(tag) =	ssettag $0x2  }
0x74: {  	s0 =	rddreg [dreg:$0x0];
	s2 =	stileid.u32  }
0x75: {  	s1 =	rddreg [dreg:$0x1];
	p0 =	sne.s32 s2, $0x0  }
0x76: {  	s3 =	rddreg [dreg:$0x2];
	[bflag:$0x3] =	sbarrier.arrive $0xFFFF;
	s2 =	simm.s32 @!p0 $0x1C01  }
0x77: {  	[timem:s3], [sflag:s2] =	dma.local @!p0 [hbm:s0], s1  }
0x78: {  	s0 =	simm.s32 @!p0 $0x1  }
0x79: {  	_ =	swait.ge @!p0 [sflag:s0], s1  }
0x7a: {  	s1 =	ssub.s32 @!p0 $0x0, s1;
	[sflag:s0] =	ssyncset.done @!p0 $0x0  }
0x7b: {  	[sflag:s0] =	ssyncadd.s32 @!p0 s1  }
0x7c: {  	[bflag:$0x3] =	sbarrier.arrive $0xFFFF  }
0x7d: {  	_ =	shalt  }

// kernel: sparse-core-data-format-call.2.cloned.1.call-start
scs
called_computation.2_lowered:
.L_overlay_start_0:
0x0: {  	s2 =	sld [smem:$0x3FD9]  }
0x1: {  	s3 =	sld [smem:$0x3FFE];
	_ =	sdelay $0x1  }
0x2: {  	s1 =	srdreg.scid  }
0x3: {  	s0 =	sand.u32 $0x1, s1  }
0x4: {  	s18 =	sshll.u32 s0, $0xA;
	s2 =	sadd.s32 s3, s2  }
0x5: {  	s2 =	sadd.s32 s2, s18  }
0x6: {  	[smem:$0x3FC5] =	sst s2  }
0x7: {  	_ = 	snop  }
0x8: {  	s19 =	sld [smem:$0x3FC8];
	(tm) =	ssettm $0x1  }
0x9: {  	s20 =	sld [smem:$0x3FFB];
	_ =	sdelay $0x3  }
0xa: {  	_ =	strace s20  }
0xb: {  	s2 =	sld [smem:$0x3FFC];
	_ =	sdelay $0x3  }
0xc: {  	_ =	strace s2  }
0xd: {  	s2 =	sld [smem:$0x3FFD];
	_ =	sdelay $0x3  }
0xe: {  	_ =	strace s2  }
0xf: {  	_ =	strace $0x8FFFFFFF  }
0x10: {  	s21 =	sld [smem:$0x3FDB];
	_ =	sdelay $0x1  }
0x11: {  	s4 =	simm.s32 $_scs_section_size  }
0x12: {  	s5 =	simm.s32 $_size__tile_overlayer_lowered;
	s6 =	simm.s32 $_tile_overlayer_lowered  }
0x13: {  	s7 =	simm.s32 $0x1BFF;
	s22 =	sshll.u32 s6, $0x1;
	s4 =	sadd.s32 s4, s21  }
0x14: {  	s23 =	simm.s32 $0x0;
	s5 =	sshll.u32 s5, $0x1;
	s6 =	sadd.s32 s22, s4  }
0x15: {  	[timem:s23], [sflag:s7] =	dma.local [hbm:s6], s5  }
0x16: {  	_ =	swait.ge [sflag:s7], s5  }
0x17: {  	s5 =	ssub.s32 $0x0, s5;
	[sflag:s7] =	ssyncset.done $0x0  }
0x18: {  	[sflag:s7] =	ssyncadd.s32 s5;
	_ =	sdelay $0x1  }
0x19: {  	s24 =	simm.s32 $0x1B8B  }
0x1a: {  	_ =	swait.ge [sflag:s24], $0x1  }
0x1b: {  	[sflag:s24] =	ssyncset.done $0x0  }
0x1c: {  	[sflag:s24] =	ssyncadd.s32 $0xFFFFFFFF  }
0x1d: {  	s5 =	sld [smem:$0x0]  }
0x1e: {  	s6 =	sand.u32 $0xFFFFFFFE, s1  }
0x1f: {  	p0 =	sne.s32 s1, s6  }
0x20: {  	s6 =	sshll.u32 @p0 s6, $0xE  }
0x21: {  	s6 =	sadd.s32 @p0 $0x11B8D, s6;
	s7 =	sshll.u32 @p0 s5, $0x11  }
0x22: {  	s6 =	sor.u32 @p0 s7, s6  }
0x23: {  	[sflag:s6] =	ssyncadd.remote.s32 @p0 $0x1;
	_ =	sdelay $0x1  }
0x24: {  	s6 =	simm.s32 @p0 $0x1B8D  }
0x25: {  	_ =	swait.eq @p0 [sflag:s6], $0x1  }
0x26: {  	[sflag:s6] =	ssyncadd.s32 @p0 $0xFFFFFFFF  }
0x27: {  	s7 =	sshll.u32 @!p0 s1, $0xE  }
0x28: {  	s7 =	sor.u32 @!p0 $0x4000, s7;
	s6 =	simm.s32 @!p0 $0x1B8D  }
0x29: {  	s5 =	sshll.u32 @!p0 s5, $0x11;
	s7 =	sadd.s32 @!p0 $0x11B8D, s7;
	_ =	swait.eq @!p0 [sflag:s6], $0x1  }
0x2a: {  	s5 =	sor.u32 @!p0 s5, s7;
	[sflag:s6] =	ssyncadd.s32 @!p0 $0xFFFFFFFF  }
0x2b: {  	s26 =	simm.s32 $0x1B8E;
	s25 =	sld [smem:$0x3FFE];
	[sflag:s5] =	ssyncadd.remote.s32 @!p0 $0x1  }
0x2c: {  	s27 =	simm.s32 $execute0_lowered;
	[smem:$0x3FD2] =	sst s26  }
0x2d: {  	s6 =	sshll.u32 s27, $0x1;
	_ =	strace $0x80000049;
	[dreg:$0x1] =	wrdreg $0xFFFFFFFF  }
0x2e: {  	s28 =	simm.s32 $_size_execute0_lowered;
	s4 =	sadd.s32 s4, s6;
	[dreg:$0x0] =	wrdreg $0x0  }
0x2f: {  	s6 =	sshll.u32 s28, $0x1;
	[dreg:$0x2] =	wrdreg s4  }
0x30: {  	[dreg:$0x3] =	wrdreg s6  }
0x31: {  	[dreg:$0x4] =	wrdreg $0xC0  }
0x32: {  	_ =	task [dreg:s23], $0x5FFFF  }
0x33: {  	[dreg:$0x1] =	wrdreg $0xFFFFFFFF  }
0x34: {  	[dreg:$0x0] =	wrdreg $0x60  }
0x35: {  	[dreg:$0x2] =	wrdreg s19  }
0x36: {  	[dreg:$0x3] =	wrdreg s25  }
0x37: {  	[dreg:$0x4] =	wrdreg $0xA  }
0x38: {  	_ =	task.clear_ibuf [dreg:s23], $0x5FFFF;
	_ =	strace $0x90000049  }
0x39: {  	s29 =	simm.s32 $0xA;
	_ =	strace $0x8000004B  }
0x3a: {  	_ =	swait.ge [sflag:s29], $0x1  }
0x3b: {  	[sflag:s29] =	ssyncadd.s32 $0xFFFFFFFF  }
0x3c: {  	_ =	strace $0x9000004B  }
0x3d: {  	_ =	sfence  }
0x3e: {  	s30 =	sld [smem:$0x0];
	_ =	sdelay $0x2  }
0x3f: {  	s31 =	sshll.u32 s1, $0xD;
	s1 =	sshrl.u32 s1, $0x2  }
0x40: {  	s4 =	sand.u32 $0x4000, s31;
	s1 =	sadd.s32 s1, s30  }
0x41: {  	s0 =	sor.u32 s4, s0;
	s1 =	sshll.u32 s1, $0x11  }
0x42: {  	s0 =	sor.u32 s1, s0  }
0x43: {  	s0 =	sadd.s32 $0x8F2B, s0  }
0x44: {  	[sflag:s0] =	ssyncadd.remote.s32 $0x1  }
0x45: {  	_ =	sfence.sel $0xFFFF  }
0x46: {  	[dreg:$0x0] =	wrdreg $0xFFFFFFFF;
	(pc) =	sbr.abs _section_cstart, $3  }
0x47: {  	[dreg:$0x1] =	wrdreg $0xFFFFFFFF  }
0x48: {  	_ =	task.clear_ibuf [dreg:s23], $0x2FFFF;
	_ =	strace $0x9FFFFFFF  }
0x49: {  	(tm) =	ssettm $0x7FFFFFFF  }
tec
execute0_lowered:
.L_overlay_start_1:
0x0: {  	(tag) =	ssettag $0x1  }
0x1: {  	s2 =	rddreg [dreg:$0x0]  }
0x2: {  	s4 =	rddreg [dreg:$0x1]  }
0x3: {  	s0 =	rddreg [dreg:$0x2];
	s1 =	stileid.u32  }
0x4: {  	_ =	strace $0x8000004A;
	s5 =	srdreg.scid;
	s9 =	simm.s32 $0x2  }
0x5: {  	s18 =	simm.s32 $0x0;
	p0 =	por $0x0, $0x0;
	s15 =	simm.s32 $0x0  }
0x6: {  	s16 =	simm.s32 $0x0;
	s17 =	simm.s32 $0x0;
	s10 =	simm.s32 $0x0  }
0x7: {  	s11 =	simm.s32 $0x0;
	s14 =	simm.s32 $0x0;
	s3 =	sand.u32 $0x1, s1  }
0x8: {  	s4 =	sadd.s32 $0x201200, s4;
	s5 =	sshll.u32 s5, $0x4;
	s6 =	ssub.s32 $0x2, s3  }
.Ltmp0:
0x9: {  	s5 =	sand.u32 $0x10, s5;
	s7 =	sshrl.u32 s6, $0x1;
	(pc) =	sbr.rel .LBB1_1-.Ltmp0, $4  }
0xa: {  	s6 =	sand.u32 $0x1, s6;
	s8 =	sor.u32 s1, s5;
	s5 =	simm.s32 $0x1  }
0xb: {  	s13 =	smov.u32 s3;
	s6 =	sadd.s32 s6, s7;
	[sflag:s5] =	ssyncpa.u1 $0x0  }
0xc: {  	s7 =	sshrl.u32 s8, $0x1;
	s6 =	sshll.u32 s6, $0x4;
	[sflag:s9] =	ssyncpa.u1 $0x0  }
0xd: {  	s9 =	simm.s32 $0x80;
	s12 =	smov.u32 s7;
	s8 =	sor.u32 $0x1, s6  }
.LBB1_4:
0xe: {  	_ = 	snop  }
0xf: {  	[tilespmem:s23+$0x1860 ss:$0x41] =	vst.msk $0xffff, v8  }
0x10: {  	[tilespmem:s23+$0x1C70 ss:$0x41] =	vst.msk $0xffff, v7  }
0x11: {  	[tilespmem:s23+$0x2490 ss:$0x41] =	vst.msk $0xffff, v1  }
0x12: {  	s26 =	sor.u32 s29, s28;
	v47 =	vld.idx.msk [tilespmem:v0+s21+$0x470 ss:$0x1], $0xffff;
	[tilespmem:s23+$0x28A0 ss:$0x41] =	vst.msk $0xffff, v2  }
0x13: {  	[tilespmem:s23+$0x2CB0 ss:$0x41] =	vst.msk $0xffff, v3;
	v57 =	vld.idx.msk [tilespmem:v0+s26+$0x410 ss:$0x1], $0xffff  }
0x14: {  	[tilespmem:s23+$0x30C0 ss:$0x41] =	vst.msk $0xffff, v4;
	s27 =	sand.u32 $0x3B00, s26;
	v58 =	vld.idx.msk [tilespmem:v0+s26+$0x420 ss:$0x1], $0xffff  }
0x15: {  	s25 =	sand.u32 $0x80, s25;
	[tilespmem:s23+$0x34D0 ss:$0x41] =	vst.msk $0xffff, v5;
	v59 =	vld.idx.msk [tilespmem:v0+s26+$0x430 ss:$0x1], $0xffff;
	s20 =	sadd.s32 s27, s20  }
0x16: {  	[tilespmem:s23+$0x38E0 ss:$0x41] =	vst.msk $0xffff, v6;
	v60 =	vld.idx.msk [tilespmem:v0+s26+$0x440 ss:$0x1], $0xffff;
	s20 =	sadd.s32 s25, s20;
	s25 =	sshra.s32 s24, $0x2  }
0x17: {  	v61 =	vld.idx.msk [tilespmem:v0+s26+$0x450 ss:$0x1], $0xffff;
	s21 =	sadd.s32 s25, s22;
	[tilespmem:s23+$0x3CF0 ss:$0x41] =	vst.msk $0xffff, v47  }
0x18: {  	v62 =	vld.idx.msk [tilespmem:v0+s26+$0x460 ss:$0x1], $0xffff;
	[tilespmem:s21+$0x2490 ss:$0x41] =	vst.msk $0xffff, v57  }
0x19: {  	v63 =	vld.idx.msk [tilespmem:v0+s26+$0x470 ss:$0x1], $0xffff;
	[tilespmem:s21+$0x28A0 ss:$0x41] =	vst.msk $0xffff, v58  }
0x1a: {  	v48 =	vld [tilespmem:s20+$0x400];
	[tilespmem:s21+$0x2CB0 ss:$0x41] =	vst.msk $0xffff, v59  }
0x1b: {  	v49 =	vld [tilespmem:s20+$0x0];
	[tilespmem:s21+$0x30C0 ss:$0x41] =	vst.msk $0xffff, v60  }
0x1c: {  	v50 =	vld [tilespmem:s20+$0x10];
	[tilespmem:s21+$0x34D0 ss:$0x41] =	vst.msk $0xffff, v61  }
0x1d: {  	v51 =	vld [tilespmem:s20+$0x20];
	[tilespmem:s21+$0x38E0 ss:$0x41] =	vst.msk $0xffff, v62  }
0x1e: {  	v52 =	vld [tilespmem:s20+$0x30];
	[tilespmem:s21+$0x3CF0 ss:$0x41] =	vst.msk $0xffff, v63  }
0x1f: {  	v53 =	vld [tilespmem:s20+$0x40];
	[tilespmem:s21+$0x2080 ss:$0x41] =	vst.msk $0xffff, v48  }
0x20: {  	v54 =	vld [tilespmem:s20+$0x50];
	[tilespmem:s21+$0x0 ss:$0x41] =	vst.msk $0xffff, v49  }
0x21: {  	s18 =	sshll.u32 s18, $0x7;
	s17 =	sshll.u32 s17, $0x14;
	s27 =	sshll.u32 s15, $0x3;
	v55 =	vld [tilespmem:s20+$0x60];
	[tilespmem:s21+$0x410 ss:$0x41] =	vst.msk $0xffff, v50  }
0x22: {  	s16 =	sshll.u32 s16, $0x10;
	s28 =	sand.u32 $0x7FC00, s18;
	v56 =	vld [tilespmem:s20+$0x70];
	s20 =	sand.u32 $0x7FC00, s27;
	[tilespmem:s21+$0x820 ss:$0x41] =	vst.msk $0xffff, v51  }
0x23: {  	s29 =	sshrl.u32 s15, $0x3;
	s18 =	sand.u32 $0x380, s18;
	s20 =	sadd.s32 s20, s28;
	[tilespmem:s21+$0xC30 ss:$0x41] =	vst.msk $0xffff, v52  }
0x24: {  	s30 =	sand.u32 $0x7, s15;
	s17 =	sadd.s32 s4, s17;
	s18 =	sor.u32 s18, s20;
	[tilespmem:s21+$0x1040 ss:$0x41] =	vst.msk $0xffff, v53  }
0x25: {  	s16 =	sadd.s32 s16, s17;
	s20 =	sand.u32 $0xF, s29;
	s18 =	sshrl.u32 s18, $0x3;
	[tilespmem:s21+$0x1450 ss:$0x41] =	vst.msk $0xffff, v54  }
0x26: {  	s15 =	sshll.u32 s30, $0x12;
	s16 =	sadd.s32 s20, s16;
	s31 =	sand.u32 $0xFFF0, s18;
	[tilespmem:s21+$0x1860 ss:$0x41] =	vst.msk $0xffff, v55  }
0x27: {  	s15 =	sor.u32 $0x40, s15;
	[tilespmem:s21+$0x1C70 ss:$0x41] =	vst.msk $0xffff, v56;
	s16 =	sadd.s32 s31, s16  }
0x28: {  	[hbm4b:s16+s15] =	stream.strided.scatter [tilespmem:s19], [sflag:$0x2], $0x4000, s9, s15, $0x18;
	[tilespmem:$0x10200] =	vst v63  }
.LBB1_5:
0x29: {  	s19 =	sadd.s32 $0x100, s10  }
0x2a: {  	s15 =	sadd.s32 $0x40, s11;
	s20 =	smov.u32 s11;
	p2 =	sgt.s32 s19, $0xFFF  }
0x2b: {  	s20 =	smov.u32 @p2 s15  }
0x2c: {  	s21 =	smov.u32 s12;
	s15 =	sadd.s32 $0x10, s12;
	p3 =	sgt.s32 s20, $0x3F  }
0x2d: {  	s21 =	smov.u32 @p3 s15  }
0x2e: {  	s22 =	smov.u32 s13;
	s15 =	sadd.s32 $0x2, s13;
	p4 =	sgt.s32 s21, $0xF  }
0x2f: {  	p1 =	slt.u32 s14, $0x2;
	s22 =	smov.u32 @p4 s15  }
0x30: {  	s18 =	smov.u32 s10;
	s19 =	simm.s32 @p2 $0x0;
	p2 =	sgt.s32 s22, $0x1  }
0x31: {  	s23 =	simm.s32 @!p1 $0x2;
	s22 =	smov.u32 @p2 s3;
	p2 =	sne.s32 s14, s8  }
.Ltmp1:
0x32: {  	s16 =	smov.u32 s12;
	_ =	swait.ge @!p1 [sflag:s23], $0x4000;
	(pc) =	sbr.rel @!p2 .LBB1_6-.Ltmp1, $4  }
0x33: {  	s17 =	smov.u32 s13;
	p0 =	por !p0, !p0;
	[sflag:s23] =	ssyncset.done @!p1 $0x0  }
0x34: {  	s10 =	smov.u32 s19;
	s20 =	simm.s32 @p3 $0x0;
	[sflag:s23] =	ssyncadd.s32 @!p1 $0xFFFFC000  }
0x35: {  	s21 =	smov.u32 @p4 s7;
	s15 =	smov.u32 s11;
	s11 =	smov.u32 s20  }
0x36: {  	s12 =	smov.u32 s21;
	s14 =	sadd.s32 $0x1, s14;
	s13 =	smov.u32 s22  }
.LBB1_1:
0x37: {  	p1 =	sge.u32 s14, s6  }
0x38: {  	s31 =	sadd.s32 $0xFFFFFFFF, s14;
	s19 =	sxor.u32 @!p1 $0xFFFFFFFF, s14;
	s20 =	sand.u32 @!p1 $0x78, s10  }
0x39: {  	s21 =	sshll.u32 @!p1 s11, $0x7;
	s22 =	sshll.u32 @!p1 s11, $0xC;
	s23 =	sshll.u32 @!p1 s10, $0x3  }
0x3a: {  	s19 =	sshll.u32 @!p1 s19, $0xE;
	s21 =	sand.u32 @!p1 $0x380, s21;
	s22 =	sand.u32 @!p1 $0x38000, s22  }
0x3b: {  	s19 =	sand.u32 @!p1 $0x4000, s19;
	s20 =	sor.u32 @!p1 s21, s20;
	s21 =	sand.u32 @!p1 $0xC00, s23  }
0x3c: {  	s22 =	sadd.s32 @!p1 s22, s23;
	s20 =	sor.u32 @!p1 s21, s20;
	s21 =	sshll.u32 @!p1 s13, $0x13  }
0x3d: {  	s23 =	sshll.u32 @!p1 s12, $0xF;
	s22 =	sshrl.u32 @!p1 s22, $0x3;
	s21 =	sadd.s32 @!p1 s2, s21  }
0x3e: {  	s22 =	sand.u32 @!p1 $0x7E00, s22;
	s21 =	sadd.s32 @!p1 s23, s21;
	s23 =	sand.u32 @!p1 $0x7, s10  }
0x3f: {  	s20 =	sshrl.u32 @!p1 s20, $0x3;
	s21 =	sadd.s32 @!p1 s22, s21;
	s22 =	sshll.u32 @!p1 s23, $0x12  }
0x40: {  	s20 =	sadd.s32 @!p1 s20, s21;
	s21 =	sor.u32 @!p1 $0x800, s22;
	s22 =	simm.s32 @!p1 $0x8000  }
0x41: {  	[tilespmem:s19], [sflag:$0x1] =	stream.strided.gather @!p1 [hbm4b:s20+s21], $0x4000, s22, s21, $0x38;
	[tilespmem:$0x10200] =	vst v63  }
0x42: {  	p1 =	sge.u32 s31, s6  }
.Ltmp2:
0x43: {  	_ = 	snop;
	(pc) =	sbr.rel @p1 .LBB1_5-.Ltmp2, $1  }
0x44: {  	_ =	sdelay $0x3  }
0x45: {  	s22 =	simm.s32 $0x0  }
0x46: {  	s21 =	sand.u32 $0x3800, s22;
	s23 =	sand.u32 $0x380, s22  }
0x47: {  	s19 =	sand.u32 $0x1, s14;
	s21 =	sor.u32 s23, s21  }
0x48: {  	_ =	swait.ge [sflag:s5], $0x4000;
	s20 =	sshll.u32 s19, $0xE;
	s23 =	sand.u32 $0x3B00, s21  }
0x49: {  	[sflag:s5] =	ssyncset.done $0x0;
	s22 =	sand.u32 $0x80, s22;
	s23 =	sadd.s32 s23, s20  }
0x4a: {  	[sflag:s5] =	ssyncadd.s32 $0xFFFFC000;
	s25 =	sadd.s32 s22, s23  }
0x4b: {  	v4 =	vld [tilespmem:s25+$0x400]  }
0x4c: {  	s24 =	simm.s32 $0x1;
	v5 =	vld [tilespmem:s25+$0x0]  }
0x4d: {  	s24 =	simm.s32 @!p0 $0x0;
	v6 =	vld [tilespmem:s25+$0x10]  }
0x4e: {  	v0 =	vmov s20;
	s31 =	smul.u32 $0x10400, s24;
	v7 =	vld [tilespmem:s25+$0x20]  }
0x4f: {  	v9 =	vld [tilespmem:s25+$0x30]  }
0x50: {  	s22 =	sshrl.u32 s31, $0x2;
	v10 =	vld [tilespmem:s25+$0x40]  }
0x51: {  	s22 =	sor.u32 $0x8000, s22;
	v11 =	vld [tilespmem:s25+$0x50]  }
0x52: {  	v8 =	vld [tilespmem:s25+$0x60];
	s23 =	sadd.s32 $0x0, s22  }
0x53: {  	v1 =	vld.idx.msk [tilespmem:v0+s21+$0x410 ss:$0x1], $0xffff;
	[tilespmem:s23+$0x2080 ss:$0x41] =	vst.msk $0xffff, v4  }
0x54: {  	v2 =	vld.idx.msk [tilespmem:v0+s21+$0x420 ss:$0x1], $0xffff;
	[tilespmem:s23+$0x0 ss:$0x41] =	vst.msk $0xffff, v5  }
0x55: {  	v3 =	vld.idx.msk [tilespmem:v0+s21+$0x430 ss:$0x1], $0xffff;
	[tilespmem:s23+$0x410 ss:$0x41] =	vst.msk $0xffff, v6  }
0x56: {  	s19 =	smul.u32 $0x10400, s19;
	[tilespmem:s23+$0x820 ss:$0x41] =	vst.msk $0xffff, v7;
	v7 =	vld [tilespmem:s25+$0x70]  }
0x57: {  	s26 =	simm.s32 $0x100;
	s27 =	simm.s32 $0x8;
	[tilespmem:s23+$0xC30 ss:$0x41] =	vst.msk $0xffff, v9;
	v4 =	vld.idx.msk [tilespmem:v0+s21+$0x440 ss:$0x1], $0xffff  }
0x58: {  	s28 =	sand.u32 $0x3800, s26;
	s19 =	sshrl.u32 s19, $0x2;
	[tilespmem:s23+$0x1040 ss:$0x41] =	vst.msk $0xffff, v10;
	v5 =	vld.idx.msk [tilespmem:v0+s21+$0x450 ss:$0x1], $0xffff;
	s25 =	simm.s32 $0x80  }
0x59: {  	s24 =	simm.s32 $0x4;
	s19 =	sor.u32 $0x8000, s19;
	[tilespmem:s23+$0x1450 ss:$0x41] =	vst.msk $0xffff, v11;
	v6 =	vld.idx.msk [tilespmem:v0+s21+$0x460 ss:$0x1], $0xffff;
	s29 =	sand.u32 $0x380, s25  }
.LBB1_3:
0x5a: {  	p1 =	sne.s32 s27, $0xFC;
	[tilespmem:s23+$0x1860 ss:$0x41] =	vst.msk $0xffff, v8;
	v8 =	vld.idx.msk [tilespmem:v0+s21+$0x470 ss:$0x1], $0xffff;
	s21 =	sor.u32 s29, s28  }
0x5b: {  	s28 =	sand.u32 $0x3B00, s21;
	v9 =	vld.idx.msk [tilespmem:v0+s21+$0x410 ss:$0x1], $0xffff;
	[tilespmem:s23+$0x1C70 ss:$0x41] =	vst.msk $0xffff, v7  }
0x5c: {  	s29 =	sand.u32 $0x80, s25;
	s28 =	sadd.s32 s28, s20;
	v7 =	vld.idx.msk [tilespmem:v0+s21+$0x420 ss:$0x1], $0xffff;
	[tilespmem:s23+$0x2490 ss:$0x41] =	vst.msk $0xffff, v1  }
0x5d: {  	s28 =	sadd.s32 s29, s28;
	v10 =	vld.idx.msk [tilespmem:v0+s21+$0x430 ss:$0x1], $0xffff;
	[tilespmem:s23+$0x28A0 ss:$0x41] =	vst.msk $0xffff, v2  }
0x5e: {  	v11 =	vld [tilespmem:s28+$0x400];
	[tilespmem:s23+$0x2CB0 ss:$0x41] =	vst.msk $0xffff, v3  }
0x5f: {  	v12 =	vld [tilespmem:s28+$0x0];
	[tilespmem:s23+$0x30C0 ss:$0x41] =	vst.msk $0xffff, v4  }
0x60: {  	v4 =	vld [tilespmem:s28+$0x10];
	[tilespmem:s23+$0x34D0 ss:$0x41] =	vst.msk $0xffff, v5  }
0x61: {  	s29 =	sshra.s32 s24, $0x2;
	s24 =	smov.u32 s27;
	v1 =	vmov v9;
	v5 =	vld [tilespmem:s28+$0x20];
	[tilespmem:s23+$0x38E0 ss:$0x41] =	vst.msk $0xffff, v6  }
0x62: {  	v2 =	vmov v7;
	v6 =	vld [tilespmem:s28+$0x30];
	[tilespmem:s23+$0x3CF0 ss:$0x41] =	vst.msk $0xffff, v8;
	s23 =	sadd.s32 s29, s22  }
0x63: {  	v3 =	vmov v10;
	v9 =	vld [tilespmem:s28+$0x40];
	[tilespmem:s23+$0x2080 ss:$0x41] =	vst.msk $0xffff, v11  }
0x64: {  	[tilespmem:s23+$0x0 ss:$0x41] =	vst.msk $0xffff, v12;
	v10 =	vld [tilespmem:s28+$0x50]  }
.Ltmp3:
0x65: {  	[tilespmem:s23+$0x410 ss:$0x41] =	vst.msk $0xffff, v4;
	v8 =	vld [tilespmem:s28+$0x60];
	(pc) =	sbr.rel @p1 .LBB1_3-.Ltmp3, $4  }
0x66: {  	[tilespmem:s23+$0x820 ss:$0x41] =	vst.msk $0xffff, v5;
	v7 =	vld [tilespmem:s28+$0x70]  }
0x67: {  	[tilespmem:s23+$0xC30 ss:$0x41] =	vst.msk $0xffff, v6;
	v4 =	vld.idx.msk [tilespmem:v0+s21+$0x440 ss:$0x1], $0xffff  }
0x68: {  	s25 =	sadd.s32 $0x80, s25;
	s26 =	sadd.s32 $0x100, s26;
	[tilespmem:s23+$0x1040 ss:$0x41] =	vst.msk $0xffff, v9;
	v5 =	vld.idx.msk [tilespmem:v0+s21+$0x450 ss:$0x1], $0xffff  }
0x69: {  	s27 =	sadd.s32 $0x4, s27;
	s29 =	sand.u32 $0x380, s25;
	s28 =	sand.u32 $0x3800, s26;
	[tilespmem:s23+$0x1450 ss:$0x41] =	vst.msk $0xffff, v10;
	v6 =	vld.idx.msk [tilespmem:v0+s21+$0x460 ss:$0x1], $0xffff  }
.Ltmp4:
0x6a: {  	_ = 	snop;
	(pc) =	sbr.rel .LBB1_4-.Ltmp4, $1  }
0x6b: {  	_ =	sdelay $0x3  }
.LBB1_6:
0x6c: {  	_ =	sfence.sel $0x180000  }
0x6d: {  	s2 =	simm.s32 $0x1;
	[bflag:$0x0] =	sbarrier.arrive $0xFFFF  }
0x6e: {  	s31 =	simm.s32 $0x2;
	[sflag:s2] =	ssyncpa.u1 $0x1  }
0x6f: {  	[sflag:s31] =	ssyncpa.u1 $0x1  }
0x70: {  	p0 =	sne.s32 s1, $0x0;
	_ =	strace $0x9000004A  }
0x71: {  	s0 =	sadd.s32 @!p0 $0x100000, s0;
	[bflag:$0x2] =	sbarrier.arrive $0xFFFF  }
0x72: {  	[sflag:s0] =	ssyncadd.tile.s32 @!p0 $0x1;
	_ =	shalt  }
.Lfunc_end1:
_tile_overlayer_lowered:
.L_overlay_start_2:
0x73: {  	(tag) =	ssettag $0x2  }
0x74: {  	s0 =	rddreg [dreg:$0x0];
	s2 =	stileid.u32  }
0x75: {  	s1 =	rddreg [dreg:$0x1];
	p0 =	sne.s32 s2, $0x0  }
0x76: {  	s3 =	rddreg [dreg:$0x2];
	[bflag:$0x3] =	sbarrier.arrive $0xFFFF;
	s2 =	simm.s32 @!p0 $0x1C01  }
0x77: {  	[timem:s3], [sflag:s2] =	dma.local @!p0 [hbm:s0], s1  }
0x78: {  	s0 =	simm.s32 @!p0 $0x1  }
0x79: {  	_ =	swait.ge @!p0 [sflag:s0], s1  }
0x7a: {  	s1 =	ssub.s32 @!p0 $0x0, s1;
	[sflag:s0] =	ssyncset.done @!p0 $0x0  }
0x7b: {  	[sflag:s0] =	ssyncadd.s32 @!p0 s1  }
0x7c: {  	[bflag:$0x3] =	sbarrier.arrive $0xFFFF  }
0x7d: {  	_ =	shalt  }

// kernel: sparse-core-data-format-call.3.cloned.1.call-start
scs
called_computation.3_lowered:
.L_overlay_start_0:
0x0: {  	s2 =	sld [smem:$0x3FD9]  }
0x1: {  	s3 =	sld [smem:$0x3FFE];
	_ =	sdelay $0x1  }
0x2: {  	s1 =	srdreg.scid  }
0x3: {  	s0 =	sand.u32 $0x1, s1  }
0x4: {  	s18 =	sshll.u32 s0, $0xA;
	s2 =	sadd.s32 s3, s2  }
0x5: {  	s2 =	sadd.s32 s2, s18  }
0x6: {  	[smem:$0x3FC5] =	sst s2  }
0x7: {  	_ = 	snop  }
0x8: {  	s2 =	sld [smem:$0x3FC9];
	(tm) =	ssettm $0x1  }
0x9: {  	s19 =	sld [smem:$0x3FFB];
	_ =	sdelay $0x3  }
0xa: {  	_ =	strace s19  }
0xb: {  	s3 =	sld [smem:$0x3FFC];
	_ =	sdelay $0x3  }
0xc: {  	_ =	strace s3  }
0xd: {  	s3 =	sld [smem:$0x3FFD];
	_ =	sdelay $0x3  }
0xe: {  	_ =	strace s3  }
0xf: {  	_ =	strace $0x8FFFFFFF  }
0x10: {  	s20 =	sld [smem:$0x3FDB];
	_ =	sdelay $0x1  }
0x11: {  	s4 =	simm.s32 $_scs_section_size  }
0x12: {  	s5 =	simm.s32 $_size__tile_overlayer_lowered;
	s6 =	simm.s32 $_tile_overlayer_lowered  }
0x13: {  	s23 =	simm.s32 $0x1BFF;
	s22 =	sshll.u32 s6, $0x1;
	s3 =	sadd.s32 s4, s20  }
0x14: {  	s7 =	simm.s32 $0x0;
	s21 =	sshll.u32 s5, $0x1;
	s5 =	sadd.s32 s22, s3  }
0x15: {  	[timem:s7], [sflag:s23] =	dma.local [hbm:s5], s21  }
0x16: {  	_ =	swait.ge [sflag:s23], s21  }
0x17: {  	s4 =	ssub.s32 $0x0, s21;
	[sflag:s23] =	ssyncset.done $0x0  }
0x18: {  	[sflag:s23] =	ssyncadd.s32 s4;
	_ =	sdelay $0x1  }
0x19: {  	s24 =	simm.s32 $0x1B8B  }
0x1a: {  	_ =	swait.ge [sflag:s24], $0x1  }
0x1b: {  	[sflag:s24] =	ssyncset.done $0x0  }
0x1c: {  	s26 =	simm.s32 $0x1B8E;
	s25 =	sld [smem:$0x3FFE];
	[sflag:s24] =	ssyncadd.s32 $0xFFFFFFFF  }
0x1d: {  	s27 =	simm.s32 $execute0_lowered;
	[smem:$0x3FD2] =	sst s26  }
0x1e: {  	s5 =	sshll.u32 s27, $0x1;
	_ =	strace $0x80000046;
	[dreg:$0x1] =	wrdreg $0xFFFFFFFF  }
0x1f: {  	s28 =	simm.s32 $_size_execute0_lowered;
	s3 =	sadd.s32 s3, s5;
	[dreg:$0x0] =	wrdreg $0x0  }
0x20: {  	s5 =	sshll.u32 s28, $0x1;
	[dreg:$0x2] =	wrdreg s3  }
0x21: {  	[dreg:$0x3] =	wrdreg s5  }
0x22: {  	[dreg:$0x4] =	wrdreg $0xC0  }
0x23: {  	_ =	task [dreg:s7], $0x5FFFF  }
0x24: {  	[dreg:$0x1] =	wrdreg $0xFFFFFFFF  }
0x25: {  	[dreg:$0x0] =	wrdreg $0x60  }
0x26: {  	[dreg:$0x2] =	wrdreg s2  }
0x27: {  	[dreg:$0x3] =	wrdreg s25  }
0x28: {  	[dreg:$0x4] =	wrdreg $0xB  }
0x29: {  	_ =	task.clear_ibuf [dreg:s7], $0x5FFFF;
	_ =	strace $0x90000046  }
0x2a: {  	s29 =	simm.s32 $0xB;
	_ =	strace $0x80000048  }
0x2b: {  	_ =	swait.ge [sflag:s29], $0x1  }
0x2c: {  	[sflag:s29] =	ssyncadd.s32 $0xFFFFFFFF  }
0x2d: {  	_ =	strace $0x90000048  }
0x2e: {  	_ =	sfence  }
0x2f: {  	s30 =	sld [smem:$0x0];
	_ =	sdelay $0x2  }
0x30: {  	s31 =	sshll.u32 s1, $0xD;
	s1 =	sshrl.u32 s1, $0x2  }
0x31: {  	s3 =	sand.u32 $0x4000, s31;
	s1 =	sadd.s32 s1, s30  }
0x32: {  	s0 =	sor.u32 s3, s0;
	s1 =	sshll.u32 s1, $0x11  }
0x33: {  	s0 =	sor.u32 s1, s0  }
0x34: {  	s0 =	sadd.s32 $0x8F2B, s0  }
0x35: {  	[sflag:s0] =	ssyncadd.remote.s32 $0x1  }
0x36: {  	_ =	sfence.sel $0xFFFF  }
0x37: {  	[dreg:$0x0] =	wrdreg $0xFFFFFFFF;
	(pc) =	sbr.abs _section_cstart, $3  }
0x38: {  	[dreg:$0x1] =	wrdreg $0xFFFFFFFF  }
0x39: {  	_ =	task.clear_ibuf [dreg:s7], $0x2FFFF;
	_ =	strace $0x9FFFFFFF  }
0x3a: {  	(tm) =	ssettm $0x7FFFFFFF  }
0x3b: {  	_ =	shalt  }
tec
execute0_lowered:
.L_overlay_start_1:
0x0: {  	(tag) =	ssettag $0x1  }
0x1: {  	s2 =	rddreg [dreg:$0x0]  }
0x2: {  	s4 =	rddreg [dreg:$0x1]  }
0x3: {  	s0 =	rddreg [dreg:$0x2];
	s1 =	stileid.u32  }
0x4: {  	_ =	strace $0x80000047;
	s5 =	srdreg.scid;
	s9 =	simm.s32 $0x2  }
0x5: {  	s18 =	simm.s32 $0x0;
	p0 =	por $0x0, $0x0;
	s15 =	simm.s32 $0x0  }
0x6: {  	s16 =	simm.s32 $0x0;
	s17 =	simm.s32 $0x0;
	s10 =	simm.s32 $0x0  }
0x7: {  	s11 =	simm.s32 $0x0;
	s14 =	simm.s32 $0x0;
	s3 =	sand.u32 $0x1, s1  }
0x8: {  	s4 =	sadd.s32 $0x1200, s4;
	s5 =	sshll.u32 s5, $0x4;
	s6 =	ssub.s32 $0x2, s3  }
.Ltmp0:
0x9: {  	s5 =	sand.u32 $0x10, s5;
	s7 =	sshrl.u32 s6, $0x1;
	(pc) =	sbr.rel .LBB1_1-.Ltmp0, $4  }
0xa: {  	s6 =	sand.u32 $0x1, s6;
	s8 =	sor.u32 s1, s5;
	s5 =	simm.s32 $0x1  }
0xb: {  	s13 =	smov.u32 s3;
	s6 =	sadd.s32 s6, s7;
	[sflag:s5] =	ssyncpa.u1 $0x0  }
0xc: {  	s7 =	sshrl.u32 s8, $0x1;
	s6 =	sshll.u32 s6, $0x4;
	[sflag:s9] =	ssyncpa.u1 $0x0  }
0xd: {  	s9 =	simm.s32 $0x80;
	s12 =	smov.u32 s7;
	s8 =	sor.u32 $0x1, s6  }
.LBB1_4:
0xe: {  	_ = 	snop  }
0xf: {  	[tilespmem:s23+$0x1860 ss:$0x41] =	vst.msk $0xffff, v8  }
0x10: {  	[tilespmem:s23+$0x1C70 ss:$0x41] =	vst.msk $0xffff, v7  }
0x11: {  	[tilespmem:s23+$0x2490 ss:$0x41] =	vst.msk $0xffff, v1  }
0x12: {  	s26 =	sor.u32 s29, s28;
	v47 =	vld.idx.msk [tilespmem:v0+s21+$0x470 ss:$0x1], $0xffff;
	[tilespmem:s23+$0x28A0 ss:$0x41] =	vst.msk $0xffff, v2  }
0x13: {  	[tilespmem:s23+$0x2CB0 ss:$0x41] =	vst.msk $0xffff, v3;
	v57 =	vld.idx.msk [tilespmem:v0+s26+$0x410 ss:$0x1], $0xffff  }
0x14: {  	[tilespmem:s23+$0x30C0 ss:$0x41] =	vst.msk $0xffff, v4;
	s27 =	sand.u32 $0x3B00, s26;
	v58 =	vld.idx.msk [tilespmem:v0+s26+$0x420 ss:$0x1], $0xffff  }
0x15: {  	s25 =	sand.u32 $0x80, s25;
	[tilespmem:s23+$0x34D0 ss:$0x41] =	vst.msk $0xffff, v5;
	v59 =	vld.idx.msk [tilespmem:v0+s26+$0x430 ss:$0x1], $0xffff;
	s20 =	sadd.s32 s27, s20  }
0x16: {  	[tilespmem:s23+$0x38E0 ss:$0x41] =	vst.msk $0xffff, v6;
	v60 =	vld.idx.msk [tilespmem:v0+s26+$0x440 ss:$0x1], $0xffff;
	s20 =	sadd.s32 s25, s20;
	s25 =	sshra.s32 s24, $0x2  }
0x17: {  	v61 =	vld.idx.msk [tilespmem:v0+s26+$0x450 ss:$0x1], $0xffff;
	s21 =	sadd.s32 s25, s22;
	[tilespmem:s23+$0x3CF0 ss:$0x41] =	vst.msk $0xffff, v47  }
0x18: {  	v62 =	vld.idx.msk [tilespmem:v0+s26+$0x460 ss:$0x1], $0xffff;
	[tilespmem:s21+$0x2490 ss:$0x41] =	vst.msk $0xffff, v57  }
0x19: {  	v63 =	vld.idx.msk [tilespmem:v0+s26+$0x470 ss:$0x1], $0xffff;
	[tilespmem:s21+$0x28A0 ss:$0x41] =	vst.msk $0xffff, v58  }
0x1a: {  	v48 =	vld [tilespmem:s20+$0x400];
	[tilespmem:s21+$0x2CB0 ss:$0x41] =	vst.msk $0xffff, v59  }
0x1b: {  	v49 =	vld [tilespmem:s20+$0x0];
	[tilespmem:s21+$0x30C0 ss:$0x41] =	vst.msk $0xffff, v60  }
0x1c: {  	v50 =	vld [tilespmem:s20+$0x10];
	[tilespmem:s21+$0x34D0 ss:$0x41] =	vst.msk $0xffff, v61  }
0x1d: {  	v51 =	vld [tilespmem:s20+$0x20];
	[tilespmem:s21+$0x38E0 ss:$0x41] =	vst.msk $0xffff, v62  }
0x1e: {  	v52 =	vld [tilespmem:s20+$0x30];
	[tilespmem:s21+$0x3CF0 ss:$0x41] =	vst.msk $0xffff, v63  }
0x1f: {  	v53 =	vld [tilespmem:s20+$0x40];
	[tilespmem:s21+$0x2080 ss:$0x41] =	vst.msk $0xffff, v48  }
0x20: {  	v54 =	vld [tilespmem:s20+$0x50];
	[tilespmem:s21+$0x0 ss:$0x41] =	vst.msk $0xffff, v49  }
0x21: {  	s18 =	sshll.u32 s18, $0x7;
	s17 =	sshll.u32 s17, $0x14;
	s27 =	sshll.u32 s15, $0x3;
	v55 =	vld [tilespmem:s20+$0x60];
	[tilespmem:s21+$0x410 ss:$0x41] =	vst.msk $0xffff, v50  }
0x22: {  	s16 =	sshll.u32 s16, $0x10;
	s28 =	sand.u32 $0x7FC00, s18;
	v56 =	vld [tilespmem:s20+$0x70];
	s20 =	sand.u32 $0x7FC00, s27;
	[tilespmem:s21+$0x820 ss:$0x41] =	vst.msk $0xffff, v51  }
0x23: {  	s29 =	sshrl.u32 s15, $0x3;
	s18 =	sand.u32 $0x380, s18;
	s20 =	sadd.s32 s20, s28;
	[tilespmem:s21+$0xC30 ss:$0x41] =	vst.msk $0xffff, v52  }
0x24: {  	s30 =	sand.u32 $0x7, s15;
	s17 =	sadd.s32 s4, s17;
	s18 =	sor.u32 s18, s20;
	[tilespmem:s21+$0x1040 ss:$0x41] =	vst.msk $0xffff, v53  }
0x25: {  	s16 =	sadd.s32 s16, s17;
	s20 =	sand.u32 $0xF, s29;
	s18 =	sshrl.u32 s18, $0x3;
	[tilespmem:s21+$0x1450 ss:$0x41] =	vst.msk $0xffff, v54  }
0x26: {  	s15 =	sshll.u32 s30, $0x12;
	s16 =	sadd.s32 s20, s16;
	s31 =	sand.u32 $0xFFF0, s18;
	[tilespmem:s21+$0x1860 ss:$0x41] =	vst.msk $0xffff, v55  }
0x27: {  	s15 =	sor.u32 $0x40, s15;
	[tilespmem:s21+$0x1C70 ss:$0x41] =	vst.msk $0xffff, v56;
	s16 =	sadd.s32 s31, s16  }
0x28: {  	[hbm4b:s16+s15] =	stream.strided.scatter [tilespmem:s19], [sflag:$0x2], $0x4000, s9, s15, $0x18;
	[tilespmem:$0x10200] =	vst v63  }
.LBB1_5:
0x29: {  	s19 =	sadd.s32 $0x100, s10  }
0x2a: {  	s15 =	sadd.s32 $0x40, s11;
	s20 =	smov.u32 s11;
	p2 =	sgt.s32 s19, $0xFFF  }
0x2b: {  	s20 =	smov.u32 @p2 s15  }
0x2c: {  	s21 =	smov.u32 s12;
	s15 =	sadd.s32 $0x10, s12;
	p3 =	sgt.s32 s20, $0x3F  }
0x2d: {  	s21 =	smov.u32 @p3 s15  }
0x2e: {  	s22 =	smov.u32 s13;
	s15 =	sadd.s32 $0x2, s13;
	p4 =	sgt.s32 s21, $0xF  }
0x2f: {  	p1 =	slt.u32 s14, $0x2;
	s22 =	smov.u32 @p4 s15  }
0x30: {  	s18 =	smov.u32 s10;
	s19 =	simm.s32 @p2 $0x0;
	p2 =	sgt.s32 s22, $0x1  }
0x31: {  	s23 =	simm.s32 @!p1 $0x2;
	s22 =	smov.u32 @p2 s3;
	p2 =	sne.s32 s14, s8  }
.Ltmp1:
0x32: {  	s16 =	smov.u32 s12;
	_ =	swait.ge @!p1 [sflag:s23], $0x4000;
	(pc) =	sbr.rel @!p2 .LBB1_6-.Ltmp1, $4  }
0x33: {  	s17 =	smov.u32 s13;
	p0 =	por !p0, !p0;
	[sflag:s23] =	ssyncset.done @!p1 $0x0  }
0x34: {  	s10 =	smov.u32 s19;
	s20 =	simm.s32 @p3 $0x0;
	[sflag:s23] =	ssyncadd.s32 @!p1 $0xFFFFC000  }
0x35: {  	s21 =	smov.u32 @p4 s7;
	s15 =	smov.u32 s11;
	s11 =	smov.u32 s20  }
0x36: {  	s12 =	smov.u32 s21;
	s14 =	sadd.s32 $0x1, s14;
	s13 =	smov.u32 s22  }
.LBB1_1:
0x37: {  	p1 =	sge.u32 s14, s6  }
0x38: {  	s31 =	sadd.s32 $0xFFFFFFFF, s14;
	s19 =	sxor.u32 @!p1 $0xFFFFFFFF, s14;
	s20 =	sand.u32 @!p1 $0x78, s10  }
0x39: {  	s21 =	sshll.u32 @!p1 s11, $0x7;
	s22 =	sshll.u32 @!p1 s11, $0xC;
	s23 =	sshll.u32 @!p1 s10, $0x3  }
0x3a: {  	s19 =	sshll.u32 @!p1 s19, $0xE;
	s21 =	sand.u32 @!p1 $0x380, s21;
	s22 =	sand.u32 @!p1 $0x38000, s22  }
0x3b: {  	s19 =	sand.u32 @!p1 $0x4000, s19;
	s20 =	sor.u32 @!p1 s21, s20;
	s21 =	sand.u32 @!p1 $0xC00, s23  }
0x3c: {  	s22 =	sadd.s32 @!p1 s22, s23;
	s20 =	sor.u32 @!p1 s21, s20;
	s21 =	sshll.u32 @!p1 s13, $0x13  }
0x3d: {  	s23 =	sshll.u32 @!p1 s12, $0xF;
	s22 =	sshrl.u32 @!p1 s22, $0x3;
	s21 =	sadd.s32 @!p1 s2, s21  }
0x3e: {  	s22 =	sand.u32 @!p1 $0x7E00, s22;
	s21 =	sadd.s32 @!p1 s23, s21;
	s23 =	sand.u32 @!p1 $0x7, s10  }
0x3f: {  	s20 =	sshrl.u32 @!p1 s20, $0x3;
	s21 =	sadd.s32 @!p1 s22, s21;
	s22 =	sshll.u32 @!p1 s23, $0x12  }
0x40: {  	s20 =	sadd.s32 @!p1 s20, s21;
	s21 =	sor.u32 @!p1 $0x800, s22;
	s22 =	simm.s32 @!p1 $0x8000  }
0x41: {  	[tilespmem:s19], [sflag:$0x1] =	stream.strided.gather @!p1 [hbm4b:s20+s21], $0x4000, s22, s21, $0x38;
	[tilespmem:$0x10200] =	vst v63  }
0x42: {  	p1 =	sge.u32 s31, s6  }
.Ltmp2:
0x43: {  	_ = 	snop;
	(pc) =	sbr.rel @p1 .LBB1_5-.Ltmp2, $1  }
0x44: {  	_ =	sdelay $0x3  }
0x45: {  	s22 =	simm.s32 $0x0  }
0x46: {  	s21 =	sand.u32 $0x3800, s22;
	s23 =	sand.u32 $0x380, s22  }
0x47: {  	s19 =	sand.u32 $0x1, s14;
	s21 =	sor.u32 s23, s21  }
0x48: {  	_ =	swait.ge [sflag:s5], $0x4000;
	s20 =	sshll.u32 s19, $0xE;
	s23 =	sand.u32 $0x3B00, s21  }
0x49: {  	[sflag:s5] =	ssyncset.done $0x0;
	s22 =	sand.u32 $0x80, s22;
	s23 =	sadd.s32 s23, s20  }
0x4a: {  	[sflag:s5] =	ssyncadd.s32 $0xFFFFC000;
	s25 =	sadd.s32 s22, s23  }
0x4b: {  	v4 =	vld [tilespmem:s25+$0x400]  }
0x4c: {  	s24 =	simm.s32 $0x1;
	v5 =	vld [tilespmem:s25+$0x0]  }
0x4d: {  	s24 =	simm.s32 @!p0 $0x0;
	v6 =	vld [tilespmem:s25+$0x10]  }
0x4e: {  	v0 =	vmov s20;
	s31 =	smul.u32 $0x10400, s24;
	v7 =	vld [tilespmem:s25+$0x20]  }
0x4f: {  	v9 =	vld [tilespmem:s25+$0x30]  }
0x50: {  	s22 =	sshrl.u32 s31, $0x2;
	v10 =	vld [tilespmem:s25+$0x40]  }
0x51: {  	s22 =	sor.u32 $0x8000, s22;
	v11 =	vld [tilespmem:s25+$0x50]  }
0x52: {  	v8 =	vld [tilespmem:s25+$0x60];
	s23 =	sadd.s32 $0x0, s22  }
0x53: {  	v1 =	vld.idx.msk [tilespmem:v0+s21+$0x410 ss:$0x1], $0xffff;
	[tilespmem:s23+$0x2080 ss:$0x41] =	vst.msk $0xffff, v4  }
0x54: {  	v2 =	vld.idx.msk [tilespmem:v0+s21+$0x420 ss:$0x1], $0xffff;
	[tilespmem:s23+$0x0 ss:$0x41] =	vst.msk $0xffff, v5  }
0x55: {  	v3 =	vld.idx.msk [tilespmem:v0+s21+$0x430 ss:$0x1], $0xffff;
	[tilespmem:s23+$0x410 ss:$0x41] =	vst.msk $0xffff, v6  }
0x56: {  	s19 =	smul.u32 $0x10400, s19;
	[tilespmem:s23+$0x820 ss:$0x41] =	vst.msk $0xffff, v7;
	v7 =	vld [tilespmem:s25+$0x70]  }
0x57: {  	s26 =	simm.s32 $0x100;
	s27 =	simm.s32 $0x8;
	[tilespmem:s23+$0xC30 ss:$0x41] =	vst.msk $0xffff, v9;
	v4 =	vld.idx.msk [tilespmem:v0+s21+$0x440 ss:$0x1], $0xffff  }
0x58: {  	s28 =	sand.u32 $0x3800, s26;
	s19 =	sshrl.u32 s19, $0x2;
	[tilespmem:s23+$0x1040 ss:$0x41] =	vst.msk $0xffff, v10;
	v5 =	vld.idx.msk [tilespmem:v0+s21+$0x450 ss:$0x1], $0xffff;
	s25 =	simm.s32 $0x80  }
0x59: {  	s24 =	simm.s32 $0x4;
	s19 =	sor.u32 $0x8000, s19;
	[tilespmem:s23+$0x1450 ss:$0x41] =	vst.msk $0xffff, v11;
	v6 =	vld.idx.msk [tilespmem:v0+s21+$0x460 ss:$0x1], $0xffff;
	s29 =	sand.u32 $0x380, s25  }
.LBB1_3:
0x5a: {  	p1 =	sne.s32 s27, $0xFC;
	[tilespmem:s23+$0x1860 ss:$0x41] =	vst.msk $0xffff, v8;
	v8 =	vld.idx.msk [tilespmem:v0+s21+$0x470 ss:$0x1], $0xffff;
	s21 =	sor.u32 s29, s28  }
0x5b: {  	s28 =	sand.u32 $0x3B00, s21;
	v9 =	vld.idx.msk [tilespmem:v0+s21+$0x410 ss:$0x1], $0xffff;
	[tilespmem:s23+$0x1C70 ss:$0x41] =	vst.msk $0xffff, v7  }
0x5c: {  	s29 =	sand.u32 $0x80, s25;
	s28 =	sadd.s32 s28, s20;
	v7 =	vld.idx.msk [tilespmem:v0+s21+$0x420 ss:$0x1], $0xffff;
	[tilespmem:s23+$0x2490 ss:$0x41] =	vst.msk $0xffff, v1  }
0x5d: {  	s28 =	sadd.s32 s29, s28;
	v10 =	vld.idx.msk [tilespmem:v0+s21+$0x430 ss:$0x1], $0xffff;
	[tilespmem:s23+$0x28A0 ss:$0x41] =	vst.msk $0xffff, v2  }
0x5e: {  	v11 =	vld [tilespmem:s28+$0x400];
	[tilespmem:s23+$0x2CB0 ss:$0x41] =	vst.msk $0xffff, v3  }
0x5f: {  	v12 =	vld [tilespmem:s28+$0x0];
	[tilespmem:s23+$0x30C0 ss:$0x41] =	vst.msk $0xffff, v4  }
0x60: {  	v4 =	vld [tilespmem:s28+$0x10];
	[tilespmem:s23+$0x34D0 ss:$0x41] =	vst.msk $0xffff, v5  }
0x61: {  	s29 =	sshra.s32 s24, $0x2;
	s24 =	smov.u32 s27;
	v1 =	vmov v9;
	v5 =	vld [tilespmem:s28+$0x20];
	[tilespmem:s23+$0x38E0 ss:$0x41] =	vst.msk $0xffff, v6  }
0x62: {  	v2 =	vmov v7;
	v6 =	vld [tilespmem:s28+$0x30];
	[tilespmem:s23+$0x3CF0 ss:$0x41] =	vst.msk $0xffff, v8;
	s23 =	sadd.s32 s29, s22  }
0x63: {  	v3 =	vmov v10;
	v9 =	vld [tilespmem:s28+$0x40];
	[tilespmem:s23+$0x2080 ss:$0x41] =	vst.msk $0xffff, v11  }
0x64: {  	[tilespmem:s23+$0x0 ss:$0x41] =	vst.msk $0xffff, v12;
	v10 =	vld [tilespmem:s28+$0x50]  }
.Ltmp3:
0x65: {  	[tilespmem:s23+$0x410 ss:$0x41] =	vst.msk $0xffff, v4;
	v8 =	vld [tilespmem:s28+$0x60];
	(pc) =	sbr.rel @p1 .LBB1_3-.Ltmp3, $4  }
0x66: {  	[tilespmem:s23+$0x820 ss:$0x41] =	vst.msk $0xffff, v5;
	v7 =	vld [tilespmem:s28+$0x70]  }
0x67: {  	[tilespmem:s23+$0xC30 ss:$0x41] =	vst.msk $0xffff, v6;
	v4 =	vld.idx.msk [tilespmem:v0+s21+$0x440 ss:$0x1], $0xffff  }
0x68: {  	s25 =	sadd.s32 $0x80, s25;
	s26 =	sadd.s32 $0x100, s26;
	[tilespmem:s23+$0x1040 ss:$0x41] =	vst.msk $0xffff, v9;
	v5 =	vld.idx.msk [tilespmem:v0+s21+$0x450 ss:$0x1], $0xffff  }
0x69: {  	s27 =	sadd.s32 $0x4, s27;
	s29 =	sand.u32 $0x380, s25;
	s28 =	sand.u32 $0x3800, s26;
	[tilespmem:s23+$0x1450 ss:$0x41] =	vst.msk $0xffff, v10;
	v6 =	vld.idx.msk [tilespmem:v0+s21+$0x460 ss:$0x1], $0xffff  }
.Ltmp4:
0x6a: {  	_ = 	snop;
	(pc) =	sbr.rel .LBB1_4-.Ltmp4, $1  }
0x6b: {  	_ =	sdelay $0x3  }
.LBB1_6:
0x6c: {  	_ =	sfence.sel $0x180000  }
0x6d: {  	s2 =	simm.s32 $0x1;
	[bflag:$0x0] =	sbarrier.arrive $0xFFFF  }
0x6e: {  	s31 =	simm.s32 $0x2;
	[sflag:s2] =	ssyncpa.u1 $0x1  }
0x6f: {  	[sflag:s31] =	ssyncpa.u1 $0x1  }
0x70: {  	p0 =	sne.s32 s1, $0x0;
	_ =	strace $0x90000047  }
0x71: {  	s0 =	sadd.s32 @!p0 $0x100000, s0;
	[bflag:$0x2] =	sbarrier.arrive $0xFFFF  }
0x72: {  	[sflag:s0] =	ssyncadd.tile.s32 @!p0 $0x1;
	_ =	shalt  }
.Lfunc_end1:
_tile_overlayer_lowered:
.L_overlay_start_2:
0x73: {  	(tag) =	ssettag $0x2  }
0x74: {  	s0 =	rddreg [dreg:$0x0];
	s2 =	stileid.u32  }
0x75: {  	s1 =	rddreg [dreg:$0x1];
	p0 =	sne.s32 s2, $0x0  }
0x76: {  	s3 =	rddreg [dreg:$0x2];
	[bflag:$0x3] =	sbarrier.arrive $0xFFFF;
	s2 =	simm.s32 @!p0 $0x1C01  }
0x77: {  	[timem:s3], [sflag:s2] =	dma.local @!p0 [hbm:s0], s1  }
0x78: {  	s0 =	simm.s32 @!p0 $0x1  }
0x79: {  	_ =	swait.ge @!p0 [sflag:s0], s1  }
0x7a: {  	s1 =	ssub.s32 @!p0 $0x0, s1;
	[sflag:s0] =	ssyncset.done @!p0 $0x0  }
0x7b: {  	[sflag:s0] =	ssyncadd.s32 @!p0 s1  }
0x7c: {  	[bflag:$0x3] =	sbarrier.arrive $0xFFFF  }
0x7d: {  	_ =	shalt  }

// kernel: sparse-core-data-format-call.cloned.1.call-start
scs
called_computation_lowered:
.L_overlay_start_0:
0x0: {  	s2 =	sld [smem:$0x3FD9]  }
0x1: {  	s3 =	sld [smem:$0x3FFE];
	_ =	sdelay $0x1  }
0x2: {  	s1 =	srdreg.scid  }
0x3: {  	s0 =	sand.u32 $0x1, s1  }
0x4: {  	s18 =	sshll.u32 s0, $0xA;
	s2 =	sadd.s32 s3, s2  }
0x5: {  	s2 =	sadd.s32 s2, s18  }
0x6: {  	[smem:$0x3FC5] =	sst s2  }
0x7: {  	_ = 	snop  }
0x8: {  	s2 =	sld [smem:$0x3FD0];
	(tm) =	ssettm $0x1  }
0x9: {  	s19 =	sld [smem:$0x3FFB];
	_ =	sdelay $0x3  }
0xa: {  	_ =	strace s19  }
0xb: {  	s3 =	sld [smem:$0x3FFC];
	_ =	sdelay $0x3  }
0xc: {  	_ =	strace s3  }
0xd: {  	s3 =	sld [smem:$0x3FFD];
	_ =	sdelay $0x3  }
0xe: {  	_ =	strace s3  }
0xf: {  	_ =	strace $0x8FFFFFFF  }
0x10: {  	s20 =	sld [smem:$0x3FDB];
	_ =	sdelay $0x1  }
0x11: {  	s4 =	simm.s32 $_scs_section_size  }
0x12: {  	s5 =	simm.s32 $_size__tile_overlayer_lowered;
	s6 =	simm.s32 $_tile_overlayer_lowered  }
0x13: {  	s23 =	simm.s32 $0x1BFF;
	s22 =	sshll.u32 s6, $0x1;
	s3 =	sadd.s32 s4, s20  }
0x14: {  	s7 =	simm.s32 $0x0;
	s21 =	sshll.u32 s5, $0x1;
	s5 =	sadd.s32 s22, s3  }
0x15: {  	[timem:s7], [sflag:s23] =	dma.local [hbm:s5], s21  }
0x16: {  	_ =	swait.ge [sflag:s23], s21  }
0x17: {  	s4 =	ssub.s32 $0x0, s21;
	[sflag:s23] =	ssyncset.done $0x0  }
0x18: {  	[sflag:s23] =	ssyncadd.s32 s4;
	_ =	sdelay $0x1  }
0x19: {  	s24 =	simm.s32 $0x1B8B  }
0x1a: {  	_ =	swait.ge [sflag:s24], $0x1  }
0x1b: {  	[sflag:s24] =	ssyncset.done $0x0  }
0x1c: {  	s26 =	simm.s32 $0x1B8E;
	s25 =	sld [smem:$0x3FFE];
	[sflag:s24] =	ssyncadd.s32 $0xFFFFFFFF  }
0x1d: {  	s27 =	simm.s32 $execute0_lowered;
	[smem:$0x3FD2] =	sst s26  }
0x1e: {  	s5 =	sshll.u32 s27, $0x1;
	_ =	strace $0x8000004F;
	[dreg:$0x1] =	wrdreg $0xFFFFFFFF  }
0x1f: {  	s28 =	simm.s32 $_size_execute0_lowered;
	s3 =	sadd.s32 s3, s5;
	[dreg:$0x0] =	wrdreg $0x0  }
0x20: {  	s5 =	sshll.u32 s28, $0x1;
	[dreg:$0x2] =	wrdreg s3  }
0x21: {  	[dreg:$0x3] =	wrdreg s5  }
0x22: {  	[dreg:$0x4] =	wrdreg $0xC0  }
0x23: {  	_ =	task [dreg:s7], $0x5FFFF  }
0x24: {  	[dreg:$0x1] =	wrdreg $0xFFFFFFFF  }
0x25: {  	[dreg:$0x0] =	wrdreg $0x60  }
0x26: {  	[dreg:$0x2] =	wrdreg s25  }
0x27: {  	[dreg:$0x3] =	wrdreg s2  }
0x28: {  	[dreg:$0x4] =	wrdreg $0x9  }
0x29: {  	_ =	task.clear_ibuf [dreg:s7], $0x5FFFF;
	_ =	strace $0x9000004F  }
0x2a: {  	s29 =	simm.s32 $0x9;
	_ =	strace $0x80000051  }
0x2b: {  	_ =	swait.ge [sflag:s29], $0x1  }
0x2c: {  	[sflag:s29] =	ssyncadd.s32 $0xFFFFFFFF  }
0x2d: {  	_ =	strace $0x90000051  }
0x2e: {  	_ =	sfence  }
0x2f: {  	s30 =	sld [smem:$0x0];
	_ =	sdelay $0x2  }
0x30: {  	s31 =	sshll.u32 s1, $0xD;
	s1 =	sshrl.u32 s1, $0x2  }
0x31: {  	s3 =	sand.u32 $0x4000, s31;
	s1 =	sadd.s32 s1, s30  }
0x32: {  	s0 =	sor.u32 s3, s0;
	s1 =	sshll.u32 s1, $0x11  }
0x33: {  	s0 =	sor.u32 s1, s0  }
0x34: {  	s0 =	sadd.s32 $0x8F2B, s0  }
0x35: {  	[sflag:s0] =	ssyncadd.remote.s32 $0x1  }
0x36: {  	_ =	sfence.sel $0xFFFF  }
0x37: {  	[dreg:$0x0] =	wrdreg $0xFFFFFFFF;
	(pc) =	sbr.abs _section_cstart, $3  }
0x38: {  	[dreg:$0x1] =	wrdreg $0xFFFFFFFF  }
0x39: {  	_ =	task.clear_ibuf [dreg:s7], $0x2FFFF;
	_ =	strace $0x9FFFFFFF  }
0x3a: {  	(tm) =	ssettm $0x7FFFFFFF  }
0x3b: {  	_ =	shalt  }
tec
execute0_lowered:
.L_overlay_start_1:
0x0: {  	(tag) =	ssettag $0x1  }
0x1: {  	s9 =	rddreg [dreg:$0x0]  }
0x2: {  	s1 =	rddreg [dreg:$0x1];
	s0 =	stileid.u32  }
0x3: {  	s4 =	srdreg.scid;
	s31 =	simm.s32 $0x2;
	s16 =	simm.s32 $0x0  }
0x4: {  	s11 =	simm.s32 $0x8000;
	s17 =	simm.s32 $0x0;
	s18 =	simm.s32 $0x0  }
0x5: {  	s15 =	simm.s32 $0x0;
	s2 =	sand.u32 $0x1, s0;
	s3 =	sand.u32 $0xE, s0  }
0x6: {  	s4 =	sshll.u32 s4, $0x7;
	s5 =	ssub.s32 $0x2, s2;
	s6 =	ssub.s32 $0x10, s3  }
0x7: {  	s4 =	sand.u32 $0x80, s4;
	s13 =	smov.u32 s3;
	s8 =	sand.u32 $0xE, s6  }
0x8: {  	s7 =	sshrl.u32 s5, $0x1;
	p0 =	sne.s32 s8, $0x0;
	s8 =	simm.s32 $0x1  }
0x9: {  	s5 =	sand.u32 $0x1, s5;
	s6 =	sshrl.u32 s6, $0x4;
	s8 =	simm.s32 @!p0 $0x0  }
0xa: {  	s10 =	ssub.s32 $0x1000, s4;
	s5 =	sadd.s32 s5, s7;
	s6 =	sadd.s32 s8, s6  }
0xb: {  	s14 =	smov.u32 s2;
	s28 =	sshrl.u32 s10, $0x7;
	s30 =	smul.u32 s5, s6  }
.Ltmp0:
0xc: {  	s29 =	sshrl.u32 s10, $0x8;
	s7 =	sand.u32 $0x1, s28;
	(pc) =	sbr.rel .LBB1_1-.Ltmp0, $4  }
0xd: {  	s12 =	smov.u32 s4;
	s7 =	sadd.s32 s29, s7;
	s5 =	rddreg [dreg:$0x2]  }
0xe: {  	_ =	strace $0x80000050;
	s6 =	simm.s32 $0x1;
	s7 =	smul.u32 s7, s30  }
0xf: {  	p0 =	por $0x0, $0x0;
	s8 =	sadd.s32 $0x601200, s9;
	[sflag:s6] =	ssyncpa.u1 $0x0  }
0x10: {  	s9 =	sadd.s32 $0x611200, s9;
	[sflag:s31] =	ssyncpa.u1 $0x0;
	s10 =	sadd.s32 $0x1, s7  }
.LBB1_7:
0x11: {  	s19 =	sadd.s32 $0x100, s12  }
0x12: {  	s16 =	sadd.s32 $0x10, s13;
	s20 =	smov.u32 s13;
	p2 =	sgt.s32 s19, $0xFFF  }
0x13: {  	s20 =	smov.u32 @p2 s16  }
0x14: {  	s22 =	smov.u32 s14;
	s16 =	sadd.s32 $0x2, s14;
	p3 =	sgt.s32 s20, $0xF  }
0x15: {  	s22 =	smov.u32 @p3 s16  }
0x16: {  	s19 =	smov.u32 @p2 s4;
	p2 =	sgt.s32 s22, $0x1  }
0x17: {  	p1 =	slt.u32 s15, $0x2;
	s22 =	smov.u32 @p2 s2;
	p2 =	sne.s32 s15, s10  }
.Ltmp1:
0x18: {  	s21 =	simm.s32 @!p1 $0x2;
	(pc) =	sbr.rel @!p2 .LBB1_8-.Ltmp1, $4  }
0x19: {  	s17 =	smov.u32 s13;
	s18 =	smov.u32 s14;
	_ =	swait.ge @!p1 [sflag:s21], $0x4000  }
0x1a: {  	p0 =	por !p0, !p0;
	[sflag:s21] =	ssyncset.done @!p1 $0x0;
	s20 =	smov.u32 @p3 s3  }
0x1b: {  	s16 =	smov.u32 s12;
	[sflag:s21] =	ssyncadd.s32 @!p1 $0xFFFFC000;
	s12 =	smov.u32 s19  }
0x1c: {  	s13 =	smov.u32 s20;
	s15 =	sadd.s32 $0x1, s15;
	s14 =	smov.u32 s22  }
.LBB1_1:
0x1d: {  	p1 =	sge.u32 s15, s7  }
0x1e: {  	s19 =	sxor.u32 @!p1 $0xFFFFFFFF, s15;
	s20 =	sshll.u32 @!p1 s14, $0x14  }
0x1f: {  	s21 =	sshll.u32 @!p1 s13, $0x10;
	s23 =	sshll.u32 @!p1 s12, $0x4;
	s24 =	simm.s32 @!p1 $0x40  }
0x20: {  	s25 =	simm.s32 @!p1 $0x80;
	s19 =	sshll.u32 @!p1 s19, $0xE;
	s22 =	sadd.s32 @!p1 s20, s21  }
0x21: {  	s23 =	sand.u32 @!p1 $0xFFF0, s23;
	s20 =	sadd.s32 @!p1 s20, s9;
	s22 =	sadd.s32 @!p1 s8, s22  }
0x22: {  	s19 =	sand.u32 @!p1 $0x4000, s19;
	s20 =	sadd.s32 @!p1 s21, s20;
	s22 =	sadd.s32 @!p1 s23, s22  }
0x23: {  	[tilespmem:s19], [sflag:$0x1] =	stream.strided.gather @!p1 [hbm4b:s22+s24], $0x2000, s25, s24, $0x38;
	[tilespmem:$0x10100] =	vst v63  }
0x24: {  	s31 =	sadd.s32 $0xFFFFFFFF, s15;
	s20 =	sadd.s32 @!p1 s23, s20;
	s19 =	sor.u32 @!p1 $0x2000, s19  }
0x25: {  	[tilespmem:s19], [sflag:$0x1] =	stream.strided.gather @!p1 [hbm4b:s20+s24], $0x2000, s25, s24, $0x38;
	[tilespmem:$0x10100] =	vst v63  }
0x26: {  	p1 =	sge.u32 s31, s7  }
.Ltmp2:
0x27: {  	_ = 	snop;
	(pc) =	sbr.rel @p1 .LBB1_7-.Ltmp2, $1  }
0x28: {  	_ =	sdelay $0x3  }
0x29: {  	s19 =	simm.s32 $0x1;
	s21 =	sand.u32 $0x1, s15  }
0x2a: {  	_ =	swait.ge [sflag:s6], $0x4000;
	s19 =	simm.s32 @!p0 $0x0;
	s21 =	smul.u32 $0x10200, s21  }
0x2b: {  	p2 =	por $0x1, $0x1;
	[sflag:s6] =	ssyncset.done $0x0;
	s20 =	smul.u32 $0x10200, s19  }
0x2c: {  	s22 =	sshll.u32 s19, $0x10;
	[sflag:s6] =	ssyncadd.s32 $0xFFFFC000;
	s30 =	sshrl.u32 s21, $0x2  }
0x2d: {  	s31 =	sshrl.u32 s22, $0x2;
	s22 =	simm.s32 $0x0;
	s20 =	sshrl.u32 s20, $0x2  }
0x2e: {  	s19 =	sor.u32 $0x8000, s30;
	s21 =	sadd.s32 $0x20, s31;
	s20 =	sor.u32 $0x8000, s20  }
.LBB1_3:
0x2f: {  	s23 =	sshll.u32 s22, $0xD  }
0x30: {  	s23 =	sand.u32 $0x3FFFE000, s23  }
0x31: {  	s25 =	sadd.s32 s23, s21  }
0x32: {  	s31 =	smul.u32 $0x8100, s22;
	v3 =	vld [tilespmem:s25+$0x10]  }
0x33: {  	v1 =	vld [tilespmem:s25+$0xFFFFFFF0]  }
0x34: {  	s22 =	sshra.s32 s31, $0x2;
	v0 =	vld [tilespmem:s25+$0x0]  }
0x35: {  	s22 =	sadd.s32 s22, s20;
	v2 =	vld [tilespmem:s25+$0xFFFFFFE0]  }
0x36: {  	s23 =	sadd.s32 $0x0, s22  }
0x37: {  	p1 =	por p2, p2;
	s24 =	simm.s32 $0x4;
	s25 =	sadd.s32 $0x40, s25;
	[tilespmem:s23+$0x1830 ss:$0x81] =	vst.msk $0xffff, v3  }
.LBB1_4:
0x38: {  	v3 =	vld [tilespmem:s25+$0x10];
	p2 =	sne.s32 s24, $0x1FC;
	[tilespmem:s23+$0x810 ss:$0x81] =	vst.msk $0xffff, v1;
	s26 =	smov.u32 s24;
	s24 =	sadd.s32 $0x4, s24  }
.Ltmp3:
0x39: {  	v1 =	vld [tilespmem:s25+$0xFFFFFFF0];
	[tilespmem:s23+$0x1020 ss:$0x81] =	vst.msk $0xffff, v0;
	(pc) =	sbr.rel @p2 .LBB1_4-.Ltmp3, $4  }
0x3a: {  	v0 =	vld [tilespmem:s25+$0x0];
	[tilespmem:s23+$0x0 ss:$0x81] =	vst.msk $0xffff, v2  }
0x3b: {  	s23 =	sshra.s32 s26, $0x2;
	v2 =	vld [tilespmem:s25+$0xFFFFFFE0]  }
0x3c: {  	s23 =	sadd.s32 s23, s22  }
0x3d: {  	s25 =	sadd.s32 $0x40, s25;
	[tilespmem:s23+$0x1830 ss:$0x81] =	vst.msk $0xffff, v3  }
.Ltmp4:
0x3e: {  	(pc) =	sbr.rel @p1 .LBB1_3-.Ltmp4, $4  }
0x3f: {  	_ = 	snop  }
0x40: {  	[tilespmem:s23+$0x810 ss:$0x81] =	vst.msk $0xffff, v1  }
0x41: {  	[tilespmem:s23+$0x1020 ss:$0x81] =	vst.msk $0xffff, v0  }
0x42: {  	s22 =	simm.s32 $0x1;
	p2 =	por $0x0, $0x0;
	[tilespmem:s23+$0x0 ss:$0x81] =	vst.msk $0xffff, v2  }
0x43: {  	s20 =	sshll.u32 s16, $0x3;
	s21 =	sand.u32 $0x78, s16  }
0x44: {  	s18 =	sshll.u32 s18, $0x13;
	s17 =	sshll.u32 s17, $0xF;
	s29 =	sand.u32 $0x7E00, s16  }
.Ltmp5:
0x45: {  	s20 =	sand.u32 $0xC00, s20;
	s18 =	sadd.s32 s1, s18;
	(pc) =	sbr.rel .LBB1_7-.Ltmp5, $4  }
0x46: {  	s30 =	sand.u32 $0x7, s16;
	s20 =	sor.u32 s21, s20;
	s17 =	sadd.s32 s17, s18  }
0x47: {  	s16 =	sshll.u32 s30, $0x12;
	s31 =	sshrl.u32 s20, $0x3;
	s17 =	sadd.s32 s29, s17  }
0x48: {  	s16 =	sor.u32 $0x400, s16;
	s17 =	sadd.s32 s31, s17  }
0x49: {  	[hbm4b:s17+s16] =	stream.strided.scatter [tilespmem:s19], [sflag:$0x2], $0x4000, s11, s16, $0x20;
	[tilespmem:$0x10100] =	vst v63  }
.LBB1_8:
0x4a: {  	_ =	sfence.sel $0x180000  }
0x4b: {  	s1 =	simm.s32 $0x1;
	[bflag:$0x0] =	sbarrier.arrive $0xFFFF  }
0x4c: {  	s31 =	simm.s32 $0x2;
	[sflag:s1] =	ssyncpa.u1 $0x1  }
0x4d: {  	[sflag:s31] =	ssyncpa.u1 $0x1  }
0x4e: {  	p0 =	sne.s32 s0, $0x0;
	_ =	strace $0x90000050  }
0x4f: {  	s0 =	sadd.s32 @!p0 $0x100000, s5;
	[bflag:$0x2] =	sbarrier.arrive $0xFFFF  }
0x50: {  	[sflag:s0] =	ssyncadd.tile.s32 @!p0 $0x1;
	_ =	shalt  }
.Lfunc_end1:
_tile_overlayer_lowered:
.L_overlay_start_2:
0x51: {  	(tag) =	ssettag $0x2  }
0x52: {  	s0 =	rddreg [dreg:$0x0];
	s2 =	stileid.u32  }
0x53: {  	s1 =	rddreg [dreg:$0x1];
	p0 =	sne.s32 s2, $0x0  }
0x54: {  	s3 =	rddreg [dreg:$0x2];
	[bflag:$0x3] =	sbarrier.arrive $0xFFFF;
	s2 =	simm.s32 @!p0 $0x1C01  }
0x55: {  	[timem:s3], [sflag:s2] =	dma.local @!p0 [hbm:s0], s1  }
0x56: {  	s0 =	simm.s32 @!p0 $0x1  }
0x57: {  	_ =	swait.ge @!p0 [sflag:s0], s1  }
0x58: {  	s1 =	ssub.s32 @!p0 $0x0, s1;
	[sflag:s0] =	ssyncset.done @!p0 $0x0  }
0x59: {  	[sflag:s0] =	ssyncadd.s32 @!p0 s1  }
0x5a: {  	[bflag:$0x3] =	sbarrier.arrive $0xFFFF  }
0x5b: {  	_ =	shalt  }

</sc_bundles>
